<compile_context>
chip_gen: v7x
topology: tpu7x:2x2x1
jax: 0.10.2.dev20260603
libtpu: 0.0.44.dev20260713+nightly
codegen_flags: <defaults>
</compile_context>

<pallas_src>
import functools
import numpy as np
import jax
import jax.numpy as jnp
from jax import lax
from jax.experimental import pallas as pl
from jax.experimental.pallas import tpu as pltpu
from jax.experimental.pallas import tpu_sc as plsc

EPS = 1e-5
NW = 32
CHUNKS = ((0, 120), (120, 80))


def _make_pe(max_len, d):
    position = np.arange(max_len, dtype=np.float32)[:, None]
    div_term = np.exp(np.arange(0, d, 2, dtype=np.float32) * -(np.log(10000.0) / d))
    pe = np.zeros((max_len, d), dtype=np.float32)
    pe[:, 0::2] = np.sin(position * div_term)
    pe[:, 1::2] = np.cos(position * div_term)
    return pe


def _build(B, L, D):
    assert B % NW == 0 and D % 16 == 0
    assert sum(sz for _, sz in CHUNKS) == L
    N = B // NW
    assert N % 2 == 0
    nk = D // 16

    @functools.partial(
        pl.kernel,
        mesh=plsc.VectorSubcoreMesh(core_axis_name="c", subcore_axis_name="s"),
        out_type=jax.ShapeDtypeStruct((B, L, D), jnp.float32),
        compiler_params=pltpu.CompilerParams(use_tc_tiling_on_sc=False),
        scratch_types=[
            pltpu.VMEM((2, L), jnp.int32),
            pltpu.VMEM((2, L), jnp.int32),
            pltpu.VMEM((2, L, D), jnp.float32),
            pltpu.VMEM((2, L, D), jnp.float32),
            pltpu.VMEM((L, D), jnp.float32),
            pltpu.VMEM((2, L, D), jnp.float32),
            pltpu.VMEM((D,), jnp.float32),
            pltpu.VMEM((D,), jnp.float32),
            pltpu.SemaphoreType.DMA,
            pltpu.SemaphoreType.DMA,
            pltpu.SemaphoreType.DMA,
            pltpu.SemaphoreType.DMA,
            pltpu.SemaphoreType.DMA,
            pltpu.SemaphoreType.DMA,
        ],
    )
    def _k(x_hbm, ts_hbm, tok_hbm, tim_hbm, pe_hbm, g_hbm, b_hbm, out_hbm,
           xidx, tidx, tokb, timb, peb, outb, gb, bb,
           si0, si1, sg0, sg1, so0, so1):
        si = [si0, si1]
        sg = [sg0, sg1]
        so = [so0, so1]
        wid = lax.axis_index("s") * 2 + lax.axis_index("c")
        pltpu.sync_copy(pe_hbm, peb)
        pltpu.sync_copy(g_hbm, gb)
        pltpu.sync_copy(b_hbm, bb)
        gvs = [gb[pl.ds(16 * k, 16)] for k in range(nk)]
        bvs = [bb[pl.ds(16 * k, 16)] for k in range(nk)]
        base = wid * N
        lane = lax.broadcasted_iota(jnp.int32, (16,), 0)
        perms = [(lane + sh) & 15 for sh in (8, 4, 2, 1)]
        dnums = lax.GatherDimensionNumbers(
            offset_dims=(), collapsed_slice_dims=(0,), start_index_map=(0,))

        def shuffle(v, p):
            return lax.gather(v, p[:, None], dnums, (1,),
                              mode=lax.GatherScatterMode.PROMISE_IN_BOUNDS)

        def lanesum(v):
            for p in perms:
                v = v + shuffle(v, p)
            return v

        def issue_idx(b, seq):
            pltpu.async_copy(x_hbm.at[seq], xidx.at[b], si[b])
            pltpu.async_copy(ts_hbm.at[seq], tidx.at[b], si[b])

        def wait_idx(b):
            pltpu.make_async_copy(x_hbm.at[0], xidx.at[b], si[b]).wait()
            pltpu.make_async_copy(ts_hbm.at[0], tidx.at[b], si[b]).wait()

        def issue_gather(b):
            for off, sz in CHUNKS:
                dst = pl.ds(off, sz)
                pltpu.async_copy(tok_hbm.at[xidx.at[b, dst]], tokb.at[b, dst], sg[b])
                pltpu.async_copy(tim_hbm.at[tidx.at[b, dst]], timb.at[b, dst], sg[b])

        def wait_gather(b):
            for off, sz in CHUNKS:
                dst = pl.ds(off, sz)
                pltpu.make_async_copy(tok_hbm.at[pl.ds(0, sz)], tokb.at[b, dst], sg[b]).wait()
                pltpu.make_async_copy(tim_hbm.at[pl.ds(0, sz)], timb.at[b, dst], sg[b]).wait()

        def wait_out(b):
            pltpu.make_async_copy(outb.at[b], out_hbm.at[0], so[b]).wait()

        def compute(b, seq):
            def row_body(r, c2):
                e = []
                for k in range(nk):
                    sl = pl.ds(16 * k, 16)
                    e.append(tokb[b, r, sl] + timb[b, r, sl] + peb[r, sl])
                s = (e[0] + e[1]) + (e[2] + e[3])
                q = (e[0] * e[0] + e[1] * e[1]) + (e[2] * e[2] + e[3] * e[3])
                inv_d = jnp.float32(1.0 / D)
                mu = lanesum(s) * inv_d
                ms = lanesum(q) * inv_d
                var = ms - mu * mu
                xx = var + jnp.float32(EPS)
                i = lax.bitcast_convert_type(xx, jnp.int32)
                i = jnp.int32(0x5F3759DF) - lax.shift_right_arithmetic(i, 1)
                y = lax.bitcast_convert_type(i, jnp.float32)
                for _ in range(3):
                    y = y * (jnp.float32(1.5) - jnp.float32(0.5) * xx * y * y)
                for k in range(nk):
                    sl = pl.ds(16 * k, 16)
                    outb[b, r, sl] = (e[k] - mu) * y * gvs[k] + bvs[k]
                return c2

            lax.fori_loop(0, L, row_body, 0)
            pltpu.async_copy(outb.at[b], out_hbm.at[seq], so[b])

        issue_idx(0, base)
        issue_idx(1, base + 1)
        wait_idx(0)
        issue_gather(0)

        def step(i, carry):
            for b in range(2):
                t = 2 * i + b
                last = (i >= N // 2 - 1)
                if b == 0:
                    wait_idx(1)
                    issue_gather(1)
                else:
                    @pl.when(jnp.logical_not(last))
                    def _():
                        wait_idx(0)
                        issue_gather(0)
                wait_gather(b)
                @pl.when(jnp.logical_not(last))
                def _():
                    issue_idx(b, base + t + 2)
                @pl.when(i >= 1)
                def _():
                    wait_out(b)
                compute(b, base + t)
            return carry

        lax.fori_loop(0, N // 2, step, 0)
        wait_out(0)
        wait_out(1)

    return _k


def kernel(x, timestamp, tok_table, time_table, gamma, beta):
    B, L = x.shape
    D = tok_table.shape[1]
    pe = jnp.asarray(_make_pe(L, D))
    return _build(B, L, D)(x, timestamp, tok_table, time_table, pe, gamma, beta)

# --- scband reference (transcript-rebuilt; emitter-appended) ---
"""Pipeline reference for scband-embedding-25709674234382 (READ-ONLY COPY).

The authoritative reference and input builder live on the scoring server;
editing this copy changes nothing except your own understanding.
"""

import jax, jax.numpy as jnp
import numpy as np

B = 4096
MAX_LEN = 200
D_MODEL = 64
VOCAB = 1000000
TIMESPAN = 86404
EPS = 1e-5


def make_pe(max_len, d):
    position = np.arange(max_len, dtype=np.float32)[:, None]
    div_term = np.exp(np.arange(0, d, 2, dtype=np.float32) * -(np.log(10000.0) / d))
    pe = np.zeros((max_len, d), dtype=np.float32)
    pe[:, 0::2] = np.sin(position * div_term)
    pe[:, 1::2] = np.cos(position * div_term)
    return jnp.asarray(pe)


def setup_inputs(seed: int = 0):
    key = jax.random.key(seed)
    k1, k2, k3, k4 = jax.random.split(key, 4)
    x = jax.random.randint(k1, (B, MAX_LEN), 0, VOCAB, dtype=jnp.int32)
    timestamp = jax.random.randint(k2, (B, MAX_LEN), 0, TIMESPAN, dtype=jnp.int32)
    tok_table = jax.random.normal(k3, (VOCAB, D_MODEL), dtype=jnp.float32)
    time_table = jax.random.normal(k4, (TIMESPAN, D_MODEL), dtype=jnp.float32)
    gamma = jnp.ones((D_MODEL,), dtype=jnp.float32)
    beta = jnp.zeros((D_MODEL,), dtype=jnp.float32)
    return {"x": x, "timestamp": timestamp, "tok_table": tok_table,
            "time_table": time_table, "gamma": gamma, "beta": beta}


def reference(x, timestamp, tok_table, time_table, gamma, beta):
    # embedding == 'both': tok + time + positional; dropout in eval mode (identity)
    L = x.shape[1]
    pe = make_pe(MAX_LEN, D_MODEL)[:L]
    emb = jnp.take(tok_table, x, axis=0) + jnp.take(time_table, timestamp, axis=0) + pe[None, :, :]
    mu = jnp.mean(emb, axis=-1, keepdims=True)
    var = jnp.var(emb, axis=-1, keepdims=True)
    out = (emb - mu) / jnp.sqrt(var + EPS) * gamma + beta
    return out

if __name__ == "__main__":
    import jax
    _d = setup_inputs()
    print(jax.jit(kernel)(*tuple(_d.values())))

</pallas_src>

<mosaic_0001>
#map = affine_map<(d0, d1) -> (0, 0)>
#map1 = affine_map<(d0, d1) -> (0)>
#map2 = affine_map<(d0, d1) -> (0, 0, 0)>
module attributes {stable_mosaic.version = 14 : i64} {
  func.func @_k(%arg0: i32, %arg1: i32, %arg2: memref<4096x200xi32, #tpu.memory_space<hbm>>, %arg3: memref<4096x200xi32, #tpu.memory_space<hbm>>, %arg4: memref<1000000x64xf32, #tpu.memory_space<hbm>>, %arg5: memref<86404x64xf32, #tpu.memory_space<hbm>>, %arg6: memref<200x64xf32, #tpu.memory_space<hbm>>, %arg7: memref<64xf32, #tpu.memory_space<hbm>>, %arg8: memref<64xf32, #tpu.memory_space<hbm>>, %arg9: memref<4096x200x64xf32, #tpu.memory_space<hbm>>, %arg10: memref<2x200xi32, #tpu.memory_space<vmem>>, %arg11: memref<2x200xi32, #tpu.memory_space<vmem>>, %arg12: memref<2x200x64xf32, #tpu.memory_space<vmem>>, %arg13: memref<2x200x64xf32, #tpu.memory_space<vmem>>, %arg14: memref<200x64xf32, #tpu.memory_space<vmem>>, %arg15: memref<2x200x64xf32, #tpu.memory_space<vmem>>, %arg16: memref<64xf32, #tpu.memory_space<vmem>>, %arg17: memref<64xf32, #tpu.memory_space<vmem>>, %arg18: memref<!tpu.dma_semaphore, #tpu.memory_space<semaphore_mem>>, %arg19: memref<!tpu.dma_semaphore, #tpu.memory_space<semaphore_mem>>, %arg20: memref<!tpu.dma_semaphore, #tpu.memory_space<semaphore_mem>>, %arg21: memref<!tpu.dma_semaphore, #tpu.memory_space<semaphore_mem>>, %arg22: memref<!tpu.dma_semaphore, #tpu.memory_space<semaphore_mem>>, %arg23: memref<!tpu.dma_semaphore, #tpu.memory_space<semaphore_mem>>) attributes {dimension_semantics = [#tpu.dimension_semantics<core_parallel>, #tpu.dimension_semantics<subcore_parallel>], iteration_bounds = array<i64: 2, 16>, scalar_prefetch = 0 : i64, scratch_operands = 14 : i64, tpu.core_type = #tpu.core_type<sc_vector_subcore>, window_params = [{transform_indices = #map}, {transform_indices = #map}, {transform_indices = #map}, {transform_indices = #map}, {transform_indices = #map}, {transform_indices = #map1}, {transform_indices = #map1}, {transform_indices = #map2}]} {
    %mul3A = arith.constant 2 : i32
    %mul3A_0 = arith.muli %arg1, %mul3A : i32
    %add3A = arith.addi %mul3A_0, %arg0 : i32
    "tpu.region"() ({
      %run_scoped3A = tpu.sem_alloc : memref<!tpu.dma_semaphore, #tpu.memory_space<semaphore_mem>>
      tpu.enqueue_dma source(%arg6 : memref<200x64xf32, #tpu.memory_space<hbm>>) target(%arg14 : memref<200x64xf32, #tpu.memory_space<vmem>>) target_semaphore(%run_scoped3A : memref<!tpu.dma_semaphore, #tpu.memory_space<semaphore_mem>>)
      tpu.wait_dma2 semaphore(%run_scoped3A : memref<!tpu.dma_semaphore, #tpu.memory_space<semaphore_mem>>) src(%arg6 : memref<200x64xf32, #tpu.memory_space<hbm>>) dst(%arg14 : memref<200x64xf32, #tpu.memory_space<vmem>>)
      tpu.yield
    }) : () -> ()
    "tpu.region"() ({
      %run_scoped3A = tpu.sem_alloc : memref<!tpu.dma_semaphore, #tpu.memory_space<semaphore_mem>>
      tpu.enqueue_dma source(%arg7 : memref<64xf32, #tpu.memory_space<hbm>>) target(%arg16 : memref<64xf32, #tpu.memory_space<vmem>>) target_semaphore(%run_scoped3A : memref<!tpu.dma_semaphore, #tpu.memory_space<semaphore_mem>>)
      tpu.wait_dma2 semaphore(%run_scoped3A : memref<!tpu.dma_semaphore, #tpu.memory_space<semaphore_mem>>) src(%arg7 : memref<64xf32, #tpu.memory_space<hbm>>) dst(%arg16 : memref<64xf32, #tpu.memory_space<vmem>>)
      tpu.yield
    }) : () -> ()
    "tpu.region"() ({
      %run_scoped3A = tpu.sem_alloc : memref<!tpu.dma_semaphore, #tpu.memory_space<semaphore_mem>>
      tpu.enqueue_dma source(%arg8 : memref<64xf32, #tpu.memory_space<hbm>>) target(%arg17 : memref<64xf32, #tpu.memory_space<vmem>>) target_semaphore(%run_scoped3A : memref<!tpu.dma_semaphore, #tpu.memory_space<semaphore_mem>>)
      tpu.wait_dma2 semaphore(%run_scoped3A : memref<!tpu.dma_semaphore, #tpu.memory_space<semaphore_mem>>) src(%arg8 : memref<64xf32, #tpu.memory_space<hbm>>) dst(%arg17 : memref<64xf32, #tpu.memory_space<vmem>>)
      tpu.yield
    }) : () -> ()
    %get3A = arith.constant 0 : index
    %get3A_1 = tpu.vector_load %arg16[%get3A] {strides = array<i32>} : memref<64xf32, #tpu.memory_space<vmem>>, vector<16xf32>,
    %get3A_2 = vector.shape_cast %get3A_1 : vector<16xf32> to vector<16xf32>
    %get3A_3 = arith.constant 16 : index
    %get3A_4 = tpu.vector_load %arg16[%get3A_3] {strides = array<i32>} : memref<64xf32, #tpu.memory_space<vmem>>, vector<16xf32>,
    %get3A_5 = vector.shape_cast %get3A_4 : vector<16xf32> to vector<16xf32>
    %get3A_6 = arith.constant 32 : index
    %get3A_7 = tpu.vector_load %arg16[%get3A_6] {strides = array<i32>} : memref<64xf32, #tpu.memory_space<vmem>>, vector<16xf32>,
    %get3A_8 = vector.shape_cast %get3A_7 : vector<16xf32> to vector<16xf32>
    %get3A_9 = arith.constant 48 : index
    %get3A_10 = tpu.vector_load %arg16[%get3A_9] {strides = array<i32>} : memref<64xf32, #tpu.memory_space<vmem>>, vector<16xf32>,
    %get3A_11 = vector.shape_cast %get3A_10 : vector<16xf32> to vector<16xf32>
    %get3A_12 = arith.constant 0 : index
    %get3A_13 = tpu.vector_load %arg17[%get3A_12] {strides = array<i32>} : memref<64xf32, #tpu.memory_space<vmem>>, vector<16xf32>,
    %get3A_14 = vector.shape_cast %get3A_13 : vector<16xf32> to vector<16xf32>
    %get3A_15 = arith.constant 16 : index
    %get3A_16 = tpu.vector_load %arg17[%get3A_15] {strides = array<i32>} : memref<64xf32, #tpu.memory_space<vmem>>, vector<16xf32>,
    %get3A_17 = vector.shape_cast %get3A_16 : vector<16xf32> to vector<16xf32>
    %get3A_18 = arith.constant 32 : index
    %get3A_19 = tpu.vector_load %arg17[%get3A_18] {strides = array<i32>} : memref<64xf32, #tpu.memory_space<vmem>>, vector<16xf32>,
    %get3A_20 = vector.shape_cast %get3A_19 : vector<16xf32> to vector<16xf32>
    %get3A_21 = arith.constant 48 : index
    %get3A_22 = tpu.vector_load %arg17[%get3A_21] {strides = array<i32>} : memref<64xf32, #tpu.memory_space<vmem>>, vector<16xf32>,
    %get3A_23 = vector.shape_cast %get3A_22 : vector<16xf32> to vector<16xf32>
    %mul3A_24 = arith.constant 128 : i32
    %mul3A_25 = arith.muli %add3A, %mul3A_24 : i32
    %iota3A = tpu.iota {dimensions = array<i32: 0>} : vector<16xi32>
    %add3A_26 = arith.constant 8 : i32
    %add3A_27 = vector.broadcast %add3A_26 : i32 to vector<16xi32>
    %add3A_28 = arith.addi %iota3A, %add3A_27 : vector<16xi32>
    %and3A = arith.constant 15 : i32
    %and3A_29 = vector.broadcast %and3A : i32 to vector<16xi32>
    %and3A_30 = arith.andi %add3A_28, %and3A_29 : vector<16xi32>
    %add3A_31 = arith.constant 4 : i32
    %add3A_32 = vector.broadcast %add3A_31 : i32 to vector<16xi32>
    %add3A_33 = arith.addi %iota3A, %add3A_32 : vector<16xi32>
    %and3A_34 = arith.constant 15 : i32
    %and3A_35 = vector.broadcast %and3A_34 : i32 to vector<16xi32>
    %and3A_36 = arith.andi %add3A_33, %and3A_35 : vector<16xi32>
    %add3A_37 = arith.constant 2 : i32
    %add3A_38 = vector.broadcast %add3A_37 : i32 to vector<16xi32>
    %add3A_39 = arith.addi %iota3A, %add3A_38 : vector<16xi32>
    %and3A_40 = arith.constant 15 : i32
    %and3A_41 = vector.broadcast %and3A_40 : i32 to vector<16xi32>
    %and3A_42 = arith.andi %add3A_39, %and3A_41 : vector<16xi32>
    %add3A_43 = arith.constant 1 : i32
    %add3A_44 = vector.broadcast %add3A_43 : i32 to vector<16xi32>
    %add3A_45 = arith.addi %iota3A, %add3A_44 : vector<16xi32>
    %and3A_46 = arith.constant 15 : i32
    %and3A_47 = vector.broadcast %and3A_46 : i32 to vector<16xi32>
    %and3A_48 = arith.andi %add3A_45, %and3A_47 : vector<16xi32>
    %dma_start3A = arith.constant 0 : i32
    %dma_start3A_49 = arith.constant 0 : i32
    %dma_start3A_50 = tpu.memref_slice %arg10[%dma_start3A, %dma_start3A_49] : memref<2x200xi32, #tpu.memory_space<vmem>> -> memref<1x200xi32, #tpu.memory_space<vmem>>
    %dma_start3A_51 = tpu.memref_squeeze %dma_start3A_50 : memref<1x200xi32, #tpu.memory_space<vmem>> -> memref<200xi32, #tpu.memory_space<vmem>>
    %dma_start3A_52 = arith.constant 0 : i32
    %dma_start3A_53 = tpu.memref_slice %arg2[%mul3A_25, %dma_start3A_52] : memref<4096x200xi32, #tpu.memory_space<hbm>> -> memref<1x200xi32, #tpu.memory_space<hbm>>
    %dma_start3A_54 = tpu.memref_squeeze %dma_start3A_53 : memref<1x200xi32, #tpu.memory_space<hbm>> -> memref<200xi32, #tpu.memory_space<hbm>>
    %dma_start3A_55 = arith.constant 0 : i32
    %dma_start3A_56 = tpu.memref_slice %arg10[%dma_start3A, %dma_start3A_55] : memref<2x200xi32, #tpu.memory_space<vmem>> -> memref<1x200xi32, #tpu.memory_space<vmem>>
    %dma_start3A_57 = tpu.memref_squeeze %dma_start3A_56 : memref<1x200xi32, #tpu.memory_space<vmem>> -> memref<200xi32, #tpu.memory_space<vmem>>
    %dma_start3A_58 = arith.constant 0 : i32
    %dma_start3A_59 = tpu.memref_slice %arg2[%mul3A_25, %dma_start3A_58] : memref<4096x200xi32, #tpu.memory_space<hbm>> -> memref<1x200xi32, #tpu.memory_space<hbm>>
    %dma_start3A_60 = tpu.memref_squeeze %dma_start3A_59 : memref<1x200xi32, #tpu.memory_space<hbm>> -> memref<200xi32, #tpu.memory_space<hbm>>
    tpu.enqueue_dma source(%dma_start3A_60 : memref<200xi32, #tpu.memory_space<hbm>>) target(%dma_start3A_57 : memref<200xi32, #tpu.memory_space<vmem>>) target_semaphore(%arg18 : memref<!tpu.dma_semaphore, #tpu.memory_space<semaphore_mem>>)
    %dma_start3A_61 = arith.constant 0 : i32
    %dma_start3A_62 = arith.constant 0 : i32
    %dma_start3A_63 = tpu.memref_slice %arg11[%dma_start3A_61, %dma_start3A_62] : memref<2x200xi32, #tpu.memory_space<vmem>> -> memref<1x200xi32, #tpu.memory_space<vmem>>
    %dma_start3A_64 = tpu.memref_squeeze %dma_start3A_63 : memref<1x200xi32, #tpu.memory_space<vmem>> -> memref<200xi32, #tpu.memory_space<vmem>>
    %dma_start3A_65 = arith.constant 0 : i32
    %dma_start3A_66 = tpu.memref_slice %arg3[%mul3A_25, %dma_start3A_65] : memref<4096x200xi32, #tpu.memory_space<hbm>> -> memref<1x200xi32, #tpu.memory_space<hbm>>
    %dma_start3A_67 = tpu.memref_squeeze %dma_start3A_66 : memref<1x200xi32, #tpu.memory_space<hbm>> -> memref<200xi32, #tpu.memory_space<hbm>>
    %dma_start3A_68 = arith.constant 0 : i32
    %dma_start3A_69 = tpu.memref_slice %arg11[%dma_start3A_61, %dma_start3A_68] : memref<2x200xi32, #tpu.memory_space<vmem>> -> memref<1x200xi32, #tpu.memory_space<vmem>>
    %dma_start3A_70 = tpu.memref_squeeze %dma_start3A_69 : memref<1x200xi32, #tpu.memory_space<vmem>> -> memref<200xi32, #tpu.memory_space<vmem>>
    %dma_start3A_71 = arith.constant 0 : i32
    %dma_start3A_72 = tpu.memref_slice %arg3[%mul3A_25, %dma_start3A_71] : memref<4096x200xi32, #tpu.memory_space<hbm>> -> memref<1x200xi32, #tpu.memory_space<hbm>>
    %dma_start3A_73 = tpu.memref_squeeze %dma_start3A_72 : memref<1x200xi32, #tpu.memory_space<hbm>> -> memref<200xi32, #tpu.memory_space<hbm>>
    tpu.enqueue_dma source(%dma_start3A_73 : memref<200xi32, #tpu.memory_space<hbm>>) target(%dma_start3A_70 : memref<200xi32, #tpu.memory_space<vmem>>) target_semaphore(%arg18 : memref<!tpu.dma_semaphore, #tpu.memory_space<semaphore_mem>>)
    %add3A_74 = arith.constant 1 : i32
    %add3A_75 = arith.addi %mul3A_25, %add3A_74 : i32
    %dma_start3A_76 = arith.constant 1 : i32
    %dma_start3A_77 = arith.constant 0 : i32
    %dma_start3A_78 = tpu.memref_slice %arg10[%dma_start3A_76, %dma_start3A_77] : memref<2x200xi32, #tpu.memory_space<vmem>> -> memref<1x200xi32, #tpu.memory_space<vmem>>
    %dma_start3A_79 = tpu.memref_squeeze %dma_start3A_78 : memref<1x200xi32, #tpu.memory_space<vmem>> -> memref<200xi32, #tpu.memory_space<vmem>>
    %dma_start3A_80 = arith.constant 0 : i32
    %dma_start3A_81 = tpu.memref_slice %arg2[%add3A_75, %dma_start3A_80] : memref<4096x200xi32, #tpu.memory_space<hbm>> -> memref<1x200xi32, #tpu.memory_space<hbm>>
    %dma_start3A_82 = tpu.memref_squeeze %dma_start3A_81 : memref<1x200xi32, #tpu.memory_space<hbm>> -> memref<200xi32, #tpu.memory_space<hbm>>
    %dma_start3A_83 = arith.constant 0 : i32
    %dma_start3A_84 = tpu.memref_slice %arg10[%dma_start3A_76, %dma_start3A_83] : memref<2x200xi32, #tpu.memory_space<vmem>> -> memref<1x200xi32, #tpu.memory_space<vmem>>
    %dma_start3A_85 = tpu.memref_squeeze %dma_start3A_84 : memref<1x200xi32, #tpu.memory_space<vmem>> -> memref<200xi32, #tpu.memory_space<vmem>>
    %dma_start3A_86 = arith.constant 0 : i32
    %dma_start3A_87 = tpu.memref_slice %arg2[%add3A_75, %dma_start3A_86] : memref<4096x200xi32, #tpu.memory_space<hbm>> -> memref<1x200xi32, #tpu.memory_space<hbm>>
    %dma_start3A_88 = tpu.memref_squeeze %dma_start3A_87 : memref<1x200xi32, #tpu.memory_space<hbm>> -> memref<200xi32, #tpu.memory_space<hbm>>
    tpu.enqueue_dma source(%dma_start3A_88 : memref<200xi32, #tpu.memory_space<hbm>>) target(%dma_start3A_85 : memref<200xi32, #tpu.memory_space<vmem>>) target_semaphore(%arg19 : memref<!tpu.dma_semaphore, #tpu.memory_space<semaphore_mem>>)
    %dma_start3A_89 = arith.constant 1 : i32
    %dma_start3A_90 = arith.constant 0 : i32
    %dma_start3A_91 = tpu.memref_slice %arg11[%dma_start3A_89, %dma_start3A_90] : memref<2x200xi32, #tpu.memory_space<vmem>> -> memref<1x200xi32, #tpu.memory_space<vmem>>
    %dma_start3A_92 = tpu.memref_squeeze %dma_start3A_91 : memref<1x200xi32, #tpu.memory_space<vmem>> -> memref<200xi32, #tpu.memory_space<vmem>>
    %dma_start3A_93 = arith.constant 0 : i32
    %dma_start3A_94 = tpu.memref_slice %arg3[%add3A_75, %dma_start3A_93] : memref<4096x200xi32, #tpu.memory_space<hbm>> -> memref<1x200xi32, #tpu.memory_space<hbm>>
    %dma_start3A_95 = tpu.memref_squeeze %dma_start3A_94 : memref<1x200xi32, #tpu.memory_space<hbm>> -> memref<200xi32, #tpu.memory_space<hbm>>
    %dma_start3A_96 = arith.constant 0 : i32
    %dma_start3A_97 = tpu.memref_slice %arg11[%dma_start3A_89, %dma_start3A_96] : memref<2x200xi32, #tpu.memory_space<vmem>> -> memref<1x200xi32, #tpu.memory_space<vmem>>
    %dma_start3A_98 = tpu.memref_squeeze %dma_start3A_97 : memref<1x200xi32, #tpu.memory_space<vmem>> -> memref<200xi32, #tpu.memory_space<vmem>>
    %dma_start3A_99 = arith.constant 0 : i32
    %dma_start3A_100 = tpu.memref_slice %arg3[%add3A_75, %dma_start3A_99] : memref<4096x200xi32, #tpu.memory_space<hbm>> -> memref<1x200xi32, #tpu.memory_space<hbm>>
    %dma_start3A_101 = tpu.memref_squeeze %dma_start3A_100 : memref<1x200xi32, #tpu.memory_space<hbm>> -> memref<200xi32, #tpu.memory_space<hbm>>
    tpu.enqueue_dma source(%dma_start3A_101 : memref<200xi32, #tpu.memory_space<hbm>>) target(%dma_start3A_98 : memref<200xi32, #tpu.memory_space<vmem>>) target_semaphore(%arg19 : memref<!tpu.dma_semaphore, #tpu.memory_space<semaphore_mem>>)
    %dma_wait3A = arith.constant 0 : i32
    %dma_wait3A_102 = arith.constant 0 : i32
    %dma_wait3A_103 = arith.constant 0 : i32
    %dma_wait3A_104 = tpu.memref_slice %arg10[%dma_wait3A_102, %dma_wait3A_103] : memref<2x200xi32, #tpu.memory_space<vmem>> -> memref<1x200xi32, #tpu.memory_space<vmem>>
    %dma_wait3A_105 = tpu.memref_squeeze %dma_wait3A_104 : memref<1x200xi32, #tpu.memory_space<vmem>> -> memref<200xi32, #tpu.memory_space<vmem>>
    %dma_wait3A_106 = arith.constant 0 : i32
    %dma_wait3A_107 = tpu.memref_slice %arg2[%dma_wait3A, %dma_wait3A_106] : memref<4096x200xi32, #tpu.memory_space<hbm>> -> memref<1x200xi32, #tpu.memory_space<hbm>>
    %dma_wait3A_108 = tpu.memref_squeeze %dma_wait3A_107 : memref<1x200xi32, #tpu.memory_space<hbm>> -> memref<200xi32, #tpu.memory_space<hbm>>
    %dma_wait3A_109 = arith.constant 0 : i32
    %dma_wait3A_110 = tpu.memref_slice %arg10[%dma_wait3A_102, %dma_wait3A_109] : memref<2x200xi32, #tpu.memory_space<vmem>> -> memref<1x200xi32, #tpu.memory_space<vmem>>
    %dma_wait3A_111 = tpu.memref_squeeze %dma_wait3A_110 : memref<1x200xi32, #tpu.memory_space<vmem>> -> memref<200xi32, #tpu.memory_space<vmem>>
    %dma_wait3A_112 = arith.constant 0 : i32
    %dma_wait3A_113 = tpu.memref_slice %arg2[%dma_wait3A, %dma_wait3A_112] : memref<4096x200xi32, #tpu.memory_space<hbm>> -> memref<1x200xi32, #tpu.memory_space<hbm>>
    %dma_wait3A_114 = tpu.memref_squeeze %dma_wait3A_113 : memref<1x200xi32, #tpu.memory_space<hbm>> -> memref<200xi32, #tpu.memory_space<hbm>>
    tpu.wait_dma2 semaphore(%arg18 : memref<!tpu.dma_semaphore, #tpu.memory_space<semaphore_mem>>) src(%dma_wait3A_114 : memref<200xi32, #tpu.memory_space<hbm>>) dst(%dma_wait3A_111 : memref<200xi32, #tpu.memory_space<vmem>>)
    %dma_wait3A_115 = arith.constant 0 : i32
    %dma_wait3A_116 = arith.constant 0 : i32
    %dma_wait3A_117 = arith.constant 0 : i32
    %dma_wait3A_118 = tpu.memref_slice %arg11[%dma_wait3A_116, %dma_wait3A_117] : memref<2x200xi32, #tpu.memory_space<vmem>> -> memref<1x200xi32, #tpu.memory_space<vmem>>
    %dma_wait3A_119 = tpu.memref_squeeze %dma_wait3A_118 : memref<1x200xi32, #tpu.memory_space<vmem>> -> memref<200xi32, #tpu.memory_space<vmem>>
    %dma_wait3A_120 = arith.constant 0 : i32
    %dma_wait3A_121 = tpu.memref_slice %arg3[%dma_wait3A_115, %dma_wait3A_120] : memref<4096x200xi32, #tpu.memory_space<hbm>> -> memref<1x200xi32, #tpu.memory_space<hbm>>
    %dma_wait3A_122 = tpu.memref_squeeze %dma_wait3A_121 : memref<1x200xi32, #tpu.memory_space<hbm>> -> memref<200xi32, #tpu.memory_space<hbm>>
    %dma_wait3A_123 = arith.constant 0 : i32
    %dma_wait3A_124 = tpu.memref_slice %arg11[%dma_wait3A_116, %dma_wait3A_123] : memref<2x200xi32, #tpu.memory_space<vmem>> -> memref<1x200xi32, #tpu.memory_space<vmem>>
    %dma_wait3A_125 = tpu.memref_squeeze %dma_wait3A_124 : memref<1x200xi32, #tpu.memory_space<vmem>> -> memref<200xi32, #tpu.memory_space<vmem>>
    %dma_wait3A_126 = arith.constant 0 : i32
    %dma_wait3A_127 = tpu.memref_slice %arg3[%dma_wait3A_115, %dma_wait3A_126] : memref<4096x200xi32, #tpu.memory_space<hbm>> -> memref<1x200xi32, #tpu.memory_space<hbm>>
    %dma_wait3A_128 = tpu.memref_squeeze %dma_wait3A_127 : memref<1x200xi32, #tpu.memory_space<hbm>> -> memref<200xi32, #tpu.memory_space<hbm>>
    tpu.wait_dma2 semaphore(%arg18 : memref<!tpu.dma_semaphore, #tpu.memory_space<semaphore_mem>>) src(%dma_wait3A_128 : memref<200xi32, #tpu.memory_space<hbm>>) dst(%dma_wait3A_125 : memref<200xi32, #tpu.memory_space<vmem>>)
    %dma_start3A_129 = arith.constant 0 : i32
    %dma_start3A_130 = arith.constant 0 : i32
    %dma_start3A_131 = arith.constant 0 : i32
    %dma_start3A_132 = arith.constant 0 : i32
    %dma_start3A_133 = tpu.memref_slice %arg12[%dma_start3A_130, %dma_start3A_131, %dma_start3A_132] : memref<2x200x64xf32, #tpu.memory_space<vmem>> -> memref<1x120x64xf32, #tpu.memory_space<vmem>>
    %dma_start3A_134 = tpu.memref_squeeze %dma_start3A_133 : memref<1x120x64xf32, #tpu.memory_space<vmem>> -> memref<120x64xf32, #tpu.memory_space<vmem>>
    %dma_start3A_135 = arith.constant 0 : i32
    %dma_start3A_136 = tpu.memref_slice %arg10[%dma_start3A_129, %dma_start3A_135] : memref<2x200xi32, #tpu.memory_space<vmem>> -> memref<1x120xi32, #tpu.memory_space<vmem>>
    %dma_start3A_137 = tpu.memref_squeeze %dma_start3A_136 : memref<1x120xi32, #tpu.memory_space<vmem>> -> memref<120xi32, #tpu.memory_space<vmem>>
    %dma_start3A_138 = arith.constant 0 : i32
    %dma_start3A_139 = arith.constant 0 : i32
    %dma_start3A_140 = tpu.memref_slice %arg4[%dma_start3A_138, %dma_start3A_139] : memref<1000000x64xf32, #tpu.memory_space<hbm>> -> memref<1000000x64xf32, #tpu.memory_space<hbm>>
    tpu.enqueue_indirect_dma source(%dma_start3A_140 : memref<1000000x64xf32, #tpu.memory_space<hbm>>) target(%dma_start3A_134 : memref<120x64xf32, #tpu.memory_space<vmem>>) offsets(%dma_start3A_137 : memref<120xi32, #tpu.memory_space<vmem>>) semaphore(%arg20 : memref<!tpu.dma_semaphore, #tpu.memory_space<semaphore_mem>>)
    %dma_start3A_141 = arith.constant 0 : i32
    %dma_start3A_142 = arith.constant 0 : i32
    %dma_start3A_143 = arith.constant 0 : i32
    %dma_start3A_144 = arith.constant 0 : i32
    %dma_start3A_145 = tpu.memref_slice %arg13[%dma_start3A_142, %dma_start3A_143, %dma_start3A_144] : memref<2x200x64xf32, #tpu.memory_space<vmem>> -> memref<1x120x64xf32, #tpu.memory_space<vmem>>
    %dma_start3A_146 = tpu.memref_squeeze %dma_start3A_145 : memref<1x120x64xf32, #tpu.memory_space<vmem>> -> memref<120x64xf32, #tpu.memory_space<vmem>>
    %dma_start3A_147 = arith.constant 0 : i32
    %dma_start3A_148 = tpu.memref_slice %arg11[%dma_start3A_141, %dma_start3A_147] : memref<2x200xi32, #tpu.memory_space<vmem>> -> memref<1x120xi32, #tpu.memory_space<vmem>>
    %dma_start3A_149 = tpu.memref_squeeze %dma_start3A_148 : memref<1x120xi32, #tpu.memory_space<vmem>> -> memref<120xi32, #tpu.memory_space<vmem>>
    %dma_start3A_150 = arith.constant 0 : i32
    %dma_start3A_151 = arith.constant 0 : i32
    %dma_start3A_152 = tpu.memref_slice %arg5[%dma_start3A_150, %dma_start3A_151] : memref<86404x64xf32, #tpu.memory_space<hbm>> -> memref<86404x64xf32, #tpu.memory_space<hbm>>
    tpu.enqueue_indirect_dma source(%dma_start3A_152 : memref<86404x64xf32, #tpu.memory_space<hbm>>) target(%dma_start3A_146 : memref<120x64xf32, #tpu.memory_space<vmem>>) offsets(%dma_start3A_149 : memref<120xi32, #tpu.memory_space<vmem>>) semaphore(%arg20 : memref<!tpu.dma_semaphore, #tpu.memory_space<semaphore_mem>>)
    %dma_start3A_153 = arith.constant 0 : i32
    %dma_start3A_154 = arith.constant 0 : i32
    %dma_start3A_155 = arith.constant 120 : i32
    %dma_start3A_156 = arith.constant 0 : i32
    %dma_start3A_157 = tpu.memref_slice %arg12[%dma_start3A_154, %dma_start3A_155, %dma_start3A_156] : memref<2x200x64xf32, #tpu.memory_space<vmem>> -> memref<1x80x64xf32, #tpu.memory_space<vmem>>
    %dma_start3A_158 = tpu.memref_squeeze %dma_start3A_157 : memref<1x80x64xf32, #tpu.memory_space<vmem>> -> memref<80x64xf32, #tpu.memory_space<vmem>>
    %dma_start3A_159 = arith.constant 120 : i32
    %dma_start3A_160 = tpu.memref_slice %arg10[%dma_start3A_153, %dma_start3A_159] : memref<2x200xi32, #tpu.memory_space<vmem>> -> memref<1x80xi32, #tpu.memory_space<vmem>>
    %dma_start3A_161 = tpu.memref_squeeze %dma_start3A_160 : memref<1x80xi32, #tpu.memory_space<vmem>> -> memref<80xi32, #tpu.memory_space<vmem>>
    %dma_start3A_162 = arith.constant 0 : i32
    %dma_start3A_163 = arith.constant 0 : i32
    %dma_start3A_164 = tpu.memref_slice %arg4[%dma_start3A_162, %dma_start3A_163] : memref<1000000x64xf32, #tpu.memory_space<hbm>> -> memref<1000000x64xf32, #tpu.memory_space<hbm>>
    tpu.enqueue_indirect_dma source(%dma_start3A_164 : memref<1000000x64xf32, #tpu.memory_space<hbm>>) target(%dma_start3A_158 : memref<80x64xf32, #tpu.memory_space<vmem>>) offsets(%dma_start3A_161 : memref<80xi32, #tpu.memory_space<vmem>>) semaphore(%arg20 : memref<!tpu.dma_semaphore, #tpu.memory_space<semaphore_mem>>)
    %dma_start3A_165 = arith.constant 0 : i32
    %dma_start3A_166 = arith.constant 0 : i32
    %dma_start3A_167 = arith.constant 120 : i32
    %dma_start3A_168 = arith.constant 0 : i32
    %dma_start3A_169 = tpu.memref_slice %arg13[%dma_start3A_166, %dma_start3A_167, %dma_start3A_168] : memref<2x200x64xf32, #tpu.memory_space<vmem>> -> memref<1x80x64xf32, #tpu.memory_space<vmem>>
    %dma_start3A_170 = tpu.memref_squeeze %dma_start3A_169 : memref<1x80x64xf32, #tpu.memory_space<vmem>> -> memref<80x64xf32, #tpu.memory_space<vmem>>
    %dma_start3A_171 = arith.constant 120 : i32
    %dma_start3A_172 = tpu.memref_slice %arg11[%dma_start3A_165, %dma_start3A_171] : memref<2x200xi32, #tpu.memory_space<vmem>> -> memref<1x80xi32, #tpu.memory_space<vmem>>
    %dma_start3A_173 = tpu.memref_squeeze %dma_start3A_172 : memref<1x80xi32, #tpu.memory_space<vmem>> -> memref<80xi32, #tpu.memory_space<vmem>>
    %dma_start3A_174 = arith.constant 0 : i32
    %dma_start3A_175 = arith.constant 0 : i32
    %dma_start3A_176 = tpu.memref_slice %arg5[%dma_start3A_174, %dma_start3A_175] : memref<86404x64xf32, #tpu.memory_space<hbm>> -> memref<86404x64xf32, #tpu.memory_space<hbm>>
    tpu.enqueue_indirect_dma source(%dma_start3A_176 : memref<86404x64xf32, #tpu.memory_space<hbm>>) target(%dma_start3A_170 : memref<80x64xf32, #tpu.memory_space<vmem>>) offsets(%dma_start3A_173 : memref<80xi32, #tpu.memory_space<vmem>>) semaphore(%arg20 : memref<!tpu.dma_semaphore, #tpu.memory_space<semaphore_mem>>)
    %scan3A = arith.constant 0 : i32
    %scan3A_177 = arith.constant 0 : i32
    %scan3A_178 = arith.constant 64 : i32
    %scan3A_179 = arith.addi %scan3A_177, %scan3A_178 : i32
    %scan3A_180 = arith.constant 1 : i32
    scf.for %scan3A_218 = %scan3A_177 to %scan3A_179 step %scan3A_180  : i32 {
      %mul3A_219 = arith.constant 2 : i32
      %mul3A_220 = arith.muli %mul3A_219, %scan3A_218 : i32
      %add3A_221 = arith.constant 0 : i32
      %add3A_222 = arith.addi %mul3A_220, %add3A_221 : i32
      %ge3A = arith.constant 63 : i32
      %ge3A_223 = arith.cmpi sge, %scan3A_218, %ge3A : i32
      %dma_wait3A_224 = arith.constant 0 : i32
      %dma_wait3A_225 = arith.constant 1 : i32
      %dma_wait3A_226 = arith.constant 0 : i32
      %dma_wait3A_227 = tpu.memref_slice %arg10[%dma_wait3A_225, %dma_wait3A_226] : memref<2x200xi32, #tpu.memory_space<vmem>> -> memref<1x200xi32, #tpu.memory_space<vmem>>
      %dma_wait3A_228 = tpu.memref_squeeze %dma_wait3A_227 : memref<1x200xi32, #tpu.memory_space<vmem>> -> memref<200xi32, #tpu.memory_space<vmem>>
      %dma_wait3A_229 = arith.constant 0 : i32
      %dma_wait3A_230 = tpu.memref_slice %arg2[%dma_wait3A_224, %dma_wait3A_229] : memref<4096x200xi32, #tpu.memory_space<hbm>> -> memref<1x200xi32, #tpu.memory_space<hbm>>
      %dma_wait3A_231 = tpu.memref_squeeze %dma_wait3A_230 : memref<1x200xi32, #tpu.memory_space<hbm>> -> memref<200xi32, #tpu.memory_space<hbm>>
      %dma_wait3A_232 = arith.constant 0 : i32
      %dma_wait3A_233 = tpu.memref_slice %arg10[%dma_wait3A_225, %dma_wait3A_232] : memref<2x200xi32, #tpu.memory_space<vmem>> -> memref<1x200xi32, #tpu.memory_space<vmem>>
      %dma_wait3A_234 = tpu.memref_squeeze %dma_wait3A_233 : memref<1x200xi32, #tpu.memory_space<vmem>> -> memref<200xi32, #tpu.memory_space<vmem>>
      %dma_wait3A_235 = arith.constant 0 : i32
      %dma_wait3A_236 = tpu.memref_slice %arg2[%dma_wait3A_224, %dma_wait3A_235] : memref<4096x200xi32, #tpu.memory_space<hbm>> -> memref<1x200xi32, #tpu.memory_space<hbm>>
      %dma_wait3A_237 = tpu.memref_squeeze %dma_wait3A_236 : memref<1x200xi32, #tpu.memory_space<hbm>> -> memref<200xi32, #tpu.memory_space<hbm>>
      tpu.wait_dma2 semaphore(%arg19 : memref<!tpu.dma_semaphore, #tpu.memory_space<semaphore_mem>>) src(%dma_wait3A_237 : memref<200xi32, #tpu.memory_space<hbm>>) dst(%dma_wait3A_234 : memref<200xi32, #tpu.memory_space<vmem>>)
      %dma_wait3A_238 = arith.constant 0 : i32
      %dma_wait3A_239 = arith.constant 1 : i32
      %dma_wait3A_240 = arith.constant 0 : i32
      %dma_wait3A_241 = tpu.memref_slice %arg11[%dma_wait3A_239, %dma_wait3A_240] : memref<2x200xi32, #tpu.memory_space<vmem>> -> memref<1x200xi32, #tpu.memory_space<vmem>>
      %dma_wait3A_242 = tpu.memref_squeeze %dma_wait3A_241 : memref<1x200xi32, #tpu.memory_space<vmem>> -> memref<200xi32, #tpu.memory_space<vmem>>
      %dma_wait3A_243 = arith.constant 0 : i32
      %dma_wait3A_244 = tpu.memref_slice %arg3[%dma_wait3A_238, %dma_wait3A_243] : memref<4096x200xi32, #tpu.memory_space<hbm>> -> memref<1x200xi32, #tpu.memory_space<hbm>>
      %dma_wait3A_245 = tpu.memref_squeeze %dma_wait3A_244 : memref<1x200xi32, #tpu.memory_space<hbm>> -> memref<200xi32, #tpu.memory_space<hbm>>
      %dma_wait3A_246 = arith.constant 0 : i32
      %dma_wait3A_247 = tpu.memref_slice %arg11[%dma_wait3A_239, %dma_wait3A_246] : memref<2x200xi32, #tpu.memory_space<vmem>> -> memref<1x200xi32, #tpu.memory_space<vmem>>
      %dma_wait3A_248 = tpu.memref_squeeze %dma_wait3A_247 : memref<1x200xi32, #tpu.memory_space<vmem>> -> memref<200xi32, #tpu.memory_space<vmem>>
      %dma_wait3A_249 = arith.constant 0 : i32
      %dma_wait3A_250 = tpu.memref_slice %arg3[%dma_wait3A_238, %dma_wait3A_249] : memref<4096x200xi32, #tpu.memory_space<hbm>> -> memref<1x200xi32, #tpu.memory_space<hbm>>
      %dma_wait3A_251 = tpu.memref_squeeze %dma_wait3A_250 : memref<1x200xi32, #tpu.memory_space<hbm>> -> memref<200xi32, #tpu.memory_space<hbm>>
      tpu.wait_dma2 semaphore(%arg19 : memref<!tpu.dma_semaphore, #tpu.memory_space<semaphore_mem>>) src(%dma_wait3A_251 : memref<200xi32, #tpu.memory_space<hbm>>) dst(%dma_wait3A_248 : memref<200xi32, #tpu.memory_space<vmem>>)
      %dma_start3A_252 = arith.constant 1 : i32
      %dma_start3A_253 = arith.constant 1 : i32
      %dma_start3A_254 = arith.constant 0 : i32
      %dma_start3A_255 = arith.constant 0 : i32
      %dma_start3A_256 = tpu.memref_slice %arg12[%dma_start3A_253, %dma_start3A_254, %dma_start3A_255] : memref<2x200x64xf32, #tpu.memory_space<vmem>> -> memref<1x120x64xf32, #tpu.memory_space<vmem>>
      %dma_start3A_257 = tpu.memref_squeeze %dma_start3A_256 : memref<1x120x64xf32, #tpu.memory_space<vmem>> -> memref<120x64xf32, #tpu.memory_space<vmem>>
      %dma_start3A_258 = arith.constant 0 : i32
      %dma_start3A_259 = tpu.memref_slice %arg10[%dma_start3A_252, %dma_start3A_258] : memref<2x200xi32, #tpu.memory_space<vmem>> -> memref<1x120xi32, #tpu.memory_space<vmem>>
      %dma_start3A_260 = tpu.memref_squeeze %dma_start3A_259 : memref<1x120xi32, #tpu.memory_space<vmem>> -> memref<120xi32, #tpu.memory_space<vmem>>
      %dma_start3A_261 = arith.constant 0 : i32
      %dma_start3A_262 = arith.constant 0 : i32
      %dma_start3A_263 = tpu.memref_slice %arg4[%dma_start3A_261, %dma_start3A_262] : memref<1000000x64xf32, #tpu.memory_space<hbm>> -> memref<1000000x64xf32, #tpu.memory_space<hbm>>
      tpu.enqueue_indirect_dma source(%dma_start3A_263 : memref<1000000x64xf32, #tpu.memory_space<hbm>>) target(%dma_start3A_257 : memref<120x64xf32, #tpu.memory_space<vmem>>) offsets(%dma_start3A_260 : memref<120xi32, #tpu.memory_space<vmem>>) semaphore(%arg21 : memref<!tpu.dma_semaphore, #tpu.memory_space<semaphore_mem>>)
      %dma_start3A_264 = arith.constant 1 : i32
      %dma_start3A_265 = arith.constant 1 : i32
      %dma_start3A_266 = arith.constant 0 : i32
      %dma_start3A_267 = arith.constant 0 : i32
      %dma_start3A_268 = tpu.memref_slice %arg13[%dma_start3A_265, %dma_start3A_266, %dma_start3A_267] : memref<2x200x64xf32, #tpu.memory_space<vmem>> -> memref<1x120x64xf32, #tpu.memory_space<vmem>>
      %dma_start3A_269 = tpu.memref_squeeze %dma_start3A_268 : memref<1x120x64xf32, #tpu.memory_space<vmem>> -> memref<120x64xf32, #tpu.memory_space<vmem>>
      %dma_start3A_270 = arith.constant 0 : i32
      %dma_start3A_271 = tpu.memref_slice %arg11[%dma_start3A_264, %dma_start3A_270] : memref<2x200xi32, #tpu.memory_space<vmem>> -> memref<1x120xi32, #tpu.memory_space<vmem>>
      %dma_start3A_272 = tpu.memref_squeeze %dma_start3A_271 : memref<1x120xi32, #tpu.memory_space<vmem>> -> memref<120xi32, #tpu.memory_space<vmem>>
      %dma_start3A_273 = arith.constant 0 : i32
      %dma_start3A_274 = arith.constant 0 : i32
      %dma_start3A_275 = tpu.memref_slice %arg5[%dma_start3A_273, %dma_start3A_274] : memref<86404x64xf32, #tpu.memory_space<hbm>> -> memref<86404x64xf32, #tpu.memory_space<hbm>>
      tpu.enqueue_indirect_dma source(%dma_start3A_275 : memref<86404x64xf32, #tpu.memory_space<hbm>>) target(%dma_start3A_269 : memref<120x64xf32, #tpu.memory_space<vmem>>) offsets(%dma_start3A_272 : memref<120xi32, #tpu.memory_space<vmem>>) semaphore(%arg21 : memref<!tpu.dma_semaphore, #tpu.memory_space<semaphore_mem>>)
      %dma_start3A_276 = arith.constant 1 : i32
      %dma_start3A_277 = arith.constant 1 : i32
      %dma_start3A_278 = arith.constant 120 : i32
      %dma_start3A_279 = arith.constant 0 : i32
      %dma_start3A_280 = tpu.memref_slice %arg12[%dma_start3A_277, %dma_start3A_278, %dma_start3A_279] : memref<2x200x64xf32, #tpu.memory_space<vmem>> -> memref<1x80x64xf32, #tpu.memory_space<vmem>>
      %dma_start3A_281 = tpu.memref_squeeze %dma_start3A_280 : memref<1x80x64xf32, #tpu.memory_space<vmem>> -> memref<80x64xf32, #tpu.memory_space<vmem>>
      %dma_start3A_282 = arith.constant 120 : i32
      %dma_start3A_283 = tpu.memref_slice %arg10[%dma_start3A_276, %dma_start3A_282] : memref<2x200xi32, #tpu.memory_space<vmem>> -> memref<1x80xi32, #tpu.memory_space<vmem>>
      %dma_start3A_284 = tpu.memref_squeeze %dma_start3A_283 : memref<1x80xi32, #tpu.memory_space<vmem>> -> memref<80xi32, #tpu.memory_space<vmem>>
      %dma_start3A_285 = arith.constant 0 : i32
      %dma_start3A_286 = arith.constant 0 : i32
      %dma_start3A_287 = tpu.memref_slice %arg4[%dma_start3A_285, %dma_start3A_286] : memref<1000000x64xf32, #tpu.memory_space<hbm>> -> memref<1000000x64xf32, #tpu.memory_space<hbm>>
      tpu.enqueue_indirect_dma source(%dma_start3A_287 : memref<1000000x64xf32, #tpu.memory_space<hbm>>) target(%dma_start3A_281 : memref<80x64xf32, #tpu.memory_space<vmem>>) offsets(%dma_start3A_284 : memref<80xi32, #tpu.memory_space<vmem>>) semaphore(%arg21 : memref<!tpu.dma_semaphore, #tpu.memory_space<semaphore_mem>>)
      %dma_start3A_288 = arith.constant 1 : i32
      %dma_start3A_289 = arith.constant 1 : i32
      %dma_start3A_290 = arith.constant 120 : i32
      %dma_start3A_291 = arith.constant 0 : i32
      %dma_start3A_292 = tpu.memref_slice %arg13[%dma_start3A_289, %dma_start3A_290, %dma_start3A_291] : memref<2x200x64xf32, #tpu.memory_space<vmem>> -> memref<1x80x64xf32, #tpu.memory_space<vmem>>
      %dma_start3A_293 = tpu.memref_squeeze %dma_start3A_292 : memref<1x80x64xf32, #tpu.memory_space<vmem>> -> memref<80x64xf32, #tpu.memory_space<vmem>>
      %dma_start3A_294 = arith.constant 120 : i32
      %dma_start3A_295 = tpu.memref_slice %arg11[%dma_start3A_288, %dma_start3A_294] : memref<2x200xi32, #tpu.memory_space<vmem>> -> memref<1x80xi32, #tpu.memory_space<vmem>>
      %dma_start3A_296 = tpu.memref_squeeze %dma_start3A_295 : memref<1x80xi32, #tpu.memory_space<vmem>> -> memref<80xi32, #tpu.memory_space<vmem>>
      %dma_start3A_297 = arith.constant 0 : i32
      %dma_start3A_298 = arith.constant 0 : i32
      %dma_start3A_299 = tpu.memref_slice %arg5[%dma_start3A_297, %dma_start3A_298] : memref<86404x64xf32, #tpu.memory_space<hbm>> -> memref<86404x64xf32, #tpu.memory_space<hbm>>
      tpu.enqueue_indirect_dma source(%dma_start3A_299 : memref<86404x64xf32, #tpu.memory_space<hbm>>) target(%dma_start3A_293 : memref<80x64xf32, #tpu.memory_space<vmem>>) offsets(%dma_start3A_296 : memref<80xi32, #tpu.memory_space<vmem>>) semaphore(%arg21 : memref<!tpu.dma_semaphore, #tpu.memory_space<semaphore_mem>>)
      %dma_wait3A_300 = arith.constant 0 : i32
      %dma_wait3A_301 = arith.constant 0 : i32
      %dma_wait3A_302 = arith.constant 0 : i32
      %dma_wait3A_303 = tpu.memref_slice %arg12[%dma_wait3A_300, %dma_wait3A_301, %dma_wait3A_302] : memref<2x200x64xf32, #tpu.memory_space<vmem>> -> memref<1x120x64xf32, #tpu.memory_space<vmem>>
      %dma_wait3A_304 = tpu.memref_squeeze %dma_wait3A_303 : memref<1x120x64xf32, #tpu.memory_space<vmem>> -> memref<120x64xf32, #tpu.memory_space<vmem>>
      %dma_wait3A_305 = arith.constant 0 : i32
      %dma_wait3A_306 = arith.constant 0 : i32
      %dma_wait3A_307 = tpu.memref_slice %arg4[%dma_wait3A_305, %dma_wait3A_306] : memref<1000000x64xf32, #tpu.memory_space<hbm>> -> memref<120x64xf32, #tpu.memory_space<hbm>>
      %dma_wait3A_308 = arith.constant 0 : i32
      %dma_wait3A_309 = arith.constant 0 : i32
      %dma_wait3A_310 = tpu.memref_slice %arg12[%dma_wait3A_300, %dma_wait3A_308, %dma_wait3A_309] : memref<2x200x64xf32, #tpu.memory_space<vmem>> -> memref<1x120x64xf32, #tpu.memory_space<vmem>>
      %dma_wait3A_311 = tpu.memref_squeeze %dma_wait3A_310 : memref<1x120x64xf32, #tpu.memory_space<vmem>> -> memref<120x64xf32, #tpu.memory_space<vmem>>
      %dma_wait3A_312 = arith.constant 0 : i32
      %dma_wait3A_313 = arith.constant 0 : i32
      %dma_wait3A_314 = tpu.memref_slice %arg4[%dma_wait3A_312, %dma_wait3A_313] : memref<1000000x64xf32, #tpu.memory_space<hbm>> -> memref<120x64xf32, #tpu.memory_space<hbm>>
      tpu.wait_dma2 semaphore(%arg20 : memref<!tpu.dma_semaphore, #tpu.memory_space<semaphore_mem>>) src(%dma_wait3A_314 : memref<120x64xf32, #tpu.memory_space<hbm>>) dst(%dma_wait3A_311 : memref<120x64xf32, #tpu.memory_space<vmem>>)
      %dma_wait3A_315 = arith.constant 0 : i32
      %dma_wait3A_316 = arith.constant 0 : i32
      %dma_wait3A_317 = arith.constant 0 : i32
      %dma_wait3A_318 = tpu.memref_slice %arg13[%dma_wait3A_315, %dma_wait3A_316, %dma_wait3A_317] : memref<2x200x64xf32, #tpu.memory_space<vmem>> -> memref<1x120x64xf32, #tpu.memory_space<vmem>>
      %dma_wait3A_319 = tpu.memref_squeeze %dma_wait3A_318 : memref<1x120x64xf32, #tpu.memory_space<vmem>> -> memref<120x64xf32, #tpu.memory_space<vmem>>
      %dma_wait3A_320 = arith.constant 0 : i32
      %dma_wait3A_321 = arith.constant 0 : i32
      %dma_wait3A_322 = tpu.memref_slice %arg5[%dma_wait3A_320, %dma_wait3A_321] : memref<86404x64xf32, #tpu.memory_space<hbm>> -> memref<120x64xf32, #tpu.memory_space<hbm>>
      %dma_wait3A_323 = arith.constant 0 : i32
      %dma_wait3A_324 = arith.constant 0 : i32
      %dma_wait3A_325 = tpu.memref_slice %arg13[%dma_wait3A_315, %dma_wait3A_323, %dma_wait3A_324] : memref<2x200x64xf32, #tpu.memory_space<vmem>> -> memref<1x120x64xf32, #tpu.memory_space<vmem>>
      %dma_wait3A_326 = tpu.memref_squeeze %dma_wait3A_325 : memref<1x120x64xf32, #tpu.memory_space<vmem>> -> memref<120x64xf32, #tpu.memory_space<vmem>>
      %dma_wait3A_327 = arith.constant 0 : i32
      %dma_wait3A_328 = arith.constant 0 : i32
      %dma_wait3A_329 = tpu.memref_slice %arg5[%dma_wait3A_327, %dma_wait3A_328] : memref<86404x64xf32, #tpu.memory_space<hbm>> -> memref<120x64xf32, #tpu.memory_space<hbm>>
      tpu.wait_dma2 semaphore(%arg20 : memref<!tpu.dma_semaphore, #tpu.memory_space<semaphore_mem>>) src(%dma_wait3A_329 : memref<120x64xf32, #tpu.memory_space<hbm>>) dst(%dma_wait3A_326 : memref<120x64xf32, #tpu.memory_space<vmem>>)
      %dma_wait3A_330 = arith.constant 0 : i32
      %dma_wait3A_331 = arith.constant 120 : i32
      %dma_wait3A_332 = arith.constant 0 : i32
      %dma_wait3A_333 = tpu.memref_slice %arg12[%dma_wait3A_330, %dma_wait3A_331, %dma_wait3A_332] : memref<2x200x64xf32, #tpu.memory_space<vmem>> -> memref<1x80x64xf32, #tpu.memory_space<vmem>>
      %dma_wait3A_334 = tpu.memref_squeeze %dma_wait3A_333 : memref<1x80x64xf32, #tpu.memory_space<vmem>> -> memref<80x64xf32, #tpu.memory_space<vmem>>
      %dma_wait3A_335 = arith.constant 0 : i32
      %dma_wait3A_336 = arith.constant 0 : i32
      %dma_wait3A_337 = tpu.memref_slice %arg4[%dma_wait3A_335, %dma_wait3A_336] : memref<1000000x64xf32, #tpu.memory_space<hbm>> -> memref<80x64xf32, #tpu.memory_space<hbm>>
      %dma_wait3A_338 = arith.constant 120 : i32
      %dma_wait3A_339 = arith.constant 0 : i32
      %dma_wait3A_340 = tpu.memref_slice %arg12[%dma_wait3A_330, %dma_wait3A_338, %dma_wait3A_339] : memref<2x200x64xf32, #tpu.memory_space<vmem>> -> memref<1x80x64xf32, #tpu.memory_space<vmem>>
      %dma_wait3A_341 = tpu.memref_squeeze %dma_wait3A_340 : memref<1x80x64xf32, #tpu.memory_space<vmem>> -> memref<80x64xf32, #tpu.memory_space<vmem>>
      %dma_wait3A_342 = arith.constant 0 : i32
      %dma_wait3A_343 = arith.constant 0 : i32
      %dma_wait3A_344 = tpu.memref_slice %arg4[%dma_wait3A_342, %dma_wait3A_343] : memref<1000000x64xf32, #tpu.memory_space<hbm>> -> memref<80x64xf32, #tpu.memory_space<hbm>>
      tpu.wait_dma2 semaphore(%arg20 : memref<!tpu.dma_semaphore, #tpu.memory_space<semaphore_mem>>) src(%dma_wait3A_344 : memref<80x64xf32, #tpu.memory_space<hbm>>) dst(%dma_wait3A_341 : memref<80x64xf32, #tpu.memory_space<vmem>>)
      %dma_wait3A_345 = arith.constant 0 : i32
      %dma_wait3A_346 = arith.constant 120 : i32
      %dma_wait3A_347 = arith.constant 0 : i32
      %dma_wait3A_348 = tpu.memref_slice %arg13[%dma_wait3A_345, %dma_wait3A_346, %dma_wait3A_347] : memref<2x200x64xf32, #tpu.memory_space<vmem>> -> memref<1x80x64xf32, #tpu.memory_space<vmem>>
      %dma_wait3A_349 = tpu.memref_squeeze %dma_wait3A_348 : memref<1x80x64xf32, #tpu.memory_space<vmem>> -> memref<80x64xf32, #tpu.memory_space<vmem>>
      %dma_wait3A_350 = arith.constant 0 : i32
      %dma_wait3A_351 = arith.constant 0 : i32
      %dma_wait3A_352 = tpu.memref_slice %arg5[%dma_wait3A_350, %dma_wait3A_351] : memref<86404x64xf32, #tpu.memory_space<hbm>> -> memref<80x64xf32, #tpu.memory_space<hbm>>
      %dma_wait3A_353 = arith.constant 120 : i32
      %dma_wait3A_354 = arith.constant 0 : i32
      %dma_wait3A_355 = tpu.memref_slice %arg13[%dma_wait3A_345, %dma_wait3A_353, %dma_wait3A_354] : memref<2x200x64xf32, #tpu.memory_space<vmem>> -> memref<1x80x64xf32, #tpu.memory_space<vmem>>
      %dma_wait3A_356 = tpu.memref_squeeze %dma_wait3A_355 : memref<1x80x64xf32, #tpu.memory_space<vmem>> -> memref<80x64xf32, #tpu.memory_space<vmem>>
      %dma_wait3A_357 = arith.constant 0 : i32
      %dma_wait3A_358 = arith.constant 0 : i32
      %dma_wait3A_359 = tpu.memref_slice %arg5[%dma_wait3A_357, %dma_wait3A_358] : memref<86404x64xf32, #tpu.memory_space<hbm>> -> memref<80x64xf32, #tpu.memory_space<hbm>>
      tpu.wait_dma2 semaphore(%arg20 : memref<!tpu.dma_semaphore, #tpu.memory_space<semaphore_mem>>) src(%dma_wait3A_359 : memref<80x64xf32, #tpu.memory_space<hbm>>) dst(%dma_wait3A_356 : memref<80x64xf32, #tpu.memory_space<vmem>>)
      %not3A = arith.constant true
      %not3A_360 = arith.xori %ge3A_223, %not3A : i1
      %convert_element_type3A = arith.extui %not3A_360 : i1 to i32
      %cond3A = arith.constant 0 : i32
      %cond3A_361 = arith.cmpi ne, %convert_element_type3A, %cond3A : i32
      scf.if %cond3A_361 {
        %add3A_496 = arith.addi %mul3A_25, %add3A_222 : i32
        %add3A_497 = arith.constant 2 : i32
        %add3A_498 = arith.addi %add3A_496, %add3A_497 : i32
        %dma_start3A_499 = arith.constant 0 : i32
        %dma_start3A_500 = arith.constant 0 : i32
        %dma_start3A_501 = tpu.memref_slice %arg10[%dma_start3A_499, %dma_start3A_500] : memref<2x200xi32, #tpu.memory_space<vmem>> -> memref<1x200xi32, #tpu.memory_space<vmem>>
        %dma_start3A_502 = tpu.memref_squeeze %dma_start3A_501 : memref<1x200xi32, #tpu.memory_space<vmem>> -> memref<200xi32, #tpu.memory_space<vmem>>
        %dma_start3A_503 = arith.constant 0 : i32
        %dma_start3A_504 = tpu.memref_slice %arg2[%add3A_498, %dma_start3A_503] : memref<4096x200xi32, #tpu.memory_space<hbm>> -> memref<1x200xi32, #tpu.memory_space<hbm>>
        %dma_start3A_505 = tpu.memref_squeeze %dma_start3A_504 : memref<1x200xi32, #tpu.memory_space<hbm>> -> memref<200xi32, #tpu.memory_space<hbm>>
        %dma_start3A_506 = arith.constant 0 : i32
        %dma_start3A_507 = tpu.memref_slice %arg10[%dma_start3A_499, %dma_start3A_506] : memref<2x200xi32, #tpu.memory_space<vmem>> -> memref<1x200xi32, #tpu.memory_space<vmem>>
        %dma_start3A_508 = tpu.memref_squeeze %dma_start3A_507 : memref<1x200xi32, #tpu.memory_space<vmem>> -> memref<200xi32, #tpu.memory_space<vmem>>
        %dma_start3A_509 = arith.constant 0 : i32
        %dma_start3A_510 = tpu.memref_slice %arg2[%add3A_498, %dma_start3A_509] : memref<4096x200xi32, #tpu.memory_space<hbm>> -> memref<1x200xi32, #tpu.memory_space<hbm>>
        %dma_start3A_511 = tpu.memref_squeeze %dma_start3A_510 : memref<1x200xi32, #tpu.memory_space<hbm>> -> memref<200xi32, #tpu.memory_space<hbm>>
        tpu.enqueue_dma source(%dma_start3A_511 : memref<200xi32, #tpu.memory_space<hbm>>) target(%dma_start3A_508 : memref<200xi32, #tpu.memory_space<vmem>>) target_semaphore(%arg18 : memref<!tpu.dma_semaphore, #tpu.memory_space<semaphore_mem>>)
        %dma_start3A_512 = arith.constant 0 : i32
        %dma_start3A_513 = arith.constant 0 : i32
        %dma_start3A_514 = tpu.memref_slice %arg11[%dma_start3A_512, %dma_start3A_513] : memref<2x200xi32, #tpu.memory_space<vmem>> -> memref<1x200xi32, #tpu.memory_space<vmem>>
        %dma_start3A_515 = tpu.memref_squeeze %dma_start3A_514 : memref<1x200xi32, #tpu.memory_space<vmem>> -> memref<200xi32, #tpu.memory_space<vmem>>
        %dma_start3A_516 = arith.constant 0 : i32
        %dma_start3A_517 = tpu.memref_slice %arg3[%add3A_498, %dma_start3A_516] : memref<4096x200xi32, #tpu.memory_space<hbm>> -> memref<1x200xi32, #tpu.memory_space<hbm>>
        %dma_start3A_518 = tpu.memref_squeeze %dma_start3A_517 : memref<1x200xi32, #tpu.memory_space<hbm>> -> memref<200xi32, #tpu.memory_space<hbm>>
        %dma_start3A_519 = arith.constant 0 : i32
        %dma_start3A_520 = tpu.memref_slice %arg11[%dma_start3A_512, %dma_start3A_519] : memref<2x200xi32, #tpu.memory_space<vmem>> -> memref<1x200xi32, #tpu.memory_space<vmem>>
        %dma_start3A_521 = tpu.memref_squeeze %dma_start3A_520 : memref<1x200xi32, #tpu.memory_space<vmem>> -> memref<200xi32, #tpu.memory_space<vmem>>
        %dma_start3A_522 = arith.constant 0 : i32
        %dma_start3A_523 = tpu.memref_slice %arg3[%add3A_498, %dma_start3A_522] : memref<4096x200xi32, #tpu.memory_space<hbm>> -> memref<1x200xi32, #tpu.memory_space<hbm>>
        %dma_start3A_524 = tpu.memref_squeeze %dma_start3A_523 : memref<1x200xi32, #tpu.memory_space<hbm>> -> memref<200xi32, #tpu.memory_space<hbm>>
        tpu.enqueue_dma source(%dma_start3A_524 : memref<200xi32, #tpu.memory_space<hbm>>) target(%dma_start3A_521 : memref<200xi32, #tpu.memory_space<vmem>>) target_semaphore(%arg18 : memref<!tpu.dma_semaphore, #tpu.memory_space<semaphore_mem>>)
      } else {
      }
      %ge3A_362 = arith.constant 1 : i32
      %ge3A_363 = arith.cmpi sge, %scan3A_218, %ge3A_362 : i32
      %convert_element_type3A_364 = arith.extui %ge3A_363 : i1 to i32
      %cond3A_365 = arith.constant 0 : i32
      %cond3A_366 = arith.cmpi ne, %convert_element_type3A_364, %cond3A_365 : i32
      scf.if %cond3A_366 {
        %dma_wait3A_496 = arith.constant 0 : i32
        %dma_wait3A_497 = arith.constant 0 : i32
        %dma_wait3A_498 = arith.constant 0 : i32
        %dma_wait3A_499 = arith.constant 0 : i32
        %dma_wait3A_500 = tpu.memref_slice %arg15[%dma_wait3A_496, %dma_wait3A_498, %dma_wait3A_499] : memref<2x200x64xf32, #tpu.memory_space<vmem>> -> memref<1x200x64xf32, #tpu.memory_space<vmem>>
        %dma_wait3A_501 = tpu.memref_squeeze %dma_wait3A_500 : memref<1x200x64xf32, #tpu.memory_space<vmem>> -> memref<200x64xf32, #tpu.memory_space<vmem>>
        %dma_wait3A_502 = arith.constant 0 : i32
        %dma_wait3A_503 = arith.constant 0 : i32
        %dma_wait3A_504 = tpu.memref_slice %arg9[%dma_wait3A_497, %dma_wait3A_502, %dma_wait3A_503] : memref<4096x200x64xf32, #tpu.memory_space<hbm>> -> memref<1x200x64xf32, #tpu.memory_space<hbm>>
        %dma_wait3A_505 = tpu.memref_squeeze %dma_wait3A_504 : memref<1x200x64xf32, #tpu.memory_space<hbm>> -> memref<200x64xf32, #tpu.memory_space<hbm>>
        %dma_wait3A_506 = arith.constant 0 : i32
        %dma_wait3A_507 = arith.constant 0 : i32
        %dma_wait3A_508 = tpu.memref_slice %arg9[%dma_wait3A_497, %dma_wait3A_506, %dma_wait3A_507] : memref<4096x200x64xf32, #tpu.memory_space<hbm>> -> memref<1x200x64xf32, #tpu.memory_space<hbm>>
        %dma_wait3A_509 = tpu.memref_squeeze %dma_wait3A_508 : memref<1x200x64xf32, #tpu.memory_space<hbm>> -> memref<200x64xf32, #tpu.memory_space<hbm>>
        %dma_wait3A_510 = arith.constant 0 : i32
        %dma_wait3A_511 = arith.constant 0 : i32
        %dma_wait3A_512 = tpu.memref_slice %arg15[%dma_wait3A_496, %dma_wait3A_510, %dma_wait3A_511] : memref<2x200x64xf32, #tpu.memory_space<vmem>> -> memref<1x200x64xf32, #tpu.memory_space<vmem>>
        %dma_wait3A_513 = tpu.memref_squeeze %dma_wait3A_512 : memref<1x200x64xf32, #tpu.memory_space<vmem>> -> memref<200x64xf32, #tpu.memory_space<vmem>>
        tpu.wait_dma2 semaphore(%arg22 : memref<!tpu.dma_semaphore, #tpu.memory_space<semaphore_mem>>) src(%dma_wait3A_513 : memref<200x64xf32, #tpu.memory_space<vmem>>) dst(%dma_wait3A_509 : memref<200x64xf32, #tpu.memory_space<hbm>>)
      } else {
      }
      %add3A_367 = arith.addi %mul3A_25, %add3A_222 : i32
      %scan3A_368 = arith.constant 0 : i32
      %scan3A_369 = arith.constant 0 : i32
      %scan3A_370 = arith.constant 200 : i32
      %scan3A_371 = arith.addi %scan3A_369, %scan3A_370 : i32
      %scan3A_372 = arith.constant 1 : i32
      scf.for %scan3A_496 = %scan3A_369 to %scan3A_371 step %scan3A_372  : i32 {
        %get3A_497 = arith.constant 0 : i32
        %get3A_498 = arith.index_cast %get3A_497 : i32 to index
        %get3A_499 = arith.index_cast %scan3A_496 : i32 to index
        %get3A_500 = arith.constant 0 : index
        %get3A_501 = tpu.vector_load %arg12[%get3A_498, %get3A_499, %get3A_500] {strides = array<i32>} : memref<2x200x64xf32, #tpu.memory_space<vmem>>, vector<1x1x16xf32>,
        %get3A_502 = vector.shape_cast %get3A_501 : vector<1x1x16xf32> to vector<16xf32>
        %get3A_503 = arith.constant 0 : i32
        %get3A_504 = arith.index_cast %get3A_503 : i32 to index
        %get3A_505 = arith.index_cast %scan3A_496 : i32 to index
        %get3A_506 = arith.constant 0 : index
        %get3A_507 = tpu.vector_load %arg13[%get3A_504, %get3A_505, %get3A_506] {strides = array<i32>} : memref<2x200x64xf32, #tpu.memory_space<vmem>>, vector<1x1x16xf32>,
        %get3A_508 = vector.shape_cast %get3A_507 : vector<1x1x16xf32> to vector<16xf32>
        %add3A_509 = arith.addf %get3A_502, %get3A_508 : vector<16xf32>
        %get3A_510 = arith.index_cast %scan3A_496 : i32 to index
        %get3A_511 = arith.constant 0 : index
        %get3A_512 = tpu.vector_load %arg14[%get3A_510, %get3A_511] {strides = array<i32>} : memref<200x64xf32, #tpu.memory_space<vmem>>, vector<1x16xf32>,
        %get3A_513 = vector.shape_cast %get3A_512 : vector<1x16xf32> to vector<16xf32>
        %add3A_514 = arith.addf %add3A_509, %get3A_513 : vector<16xf32>
        %get3A_515 = arith.constant 0 : i32
        %get3A_516 = arith.index_cast %get3A_515 : i32 to index
        %get3A_517 = arith.index_cast %scan3A_496 : i32 to index
        %get3A_518 = arith.constant 16 : index
        %get3A_519 = tpu.vector_load %arg12[%get3A_516, %get3A_517, %get3A_518] {strides = array<i32>} : memref<2x200x64xf32, #tpu.memory_space<vmem>>, vector<1x1x16xf32>,
        %get3A_520 = vector.shape_cast %get3A_519 : vector<1x1x16xf32> to vector<16xf32>
        %get3A_521 = arith.constant 0 : i32
        %get3A_522 = arith.index_cast %get3A_521 : i32 to index
        %get3A_523 = arith.index_cast %scan3A_496 : i32 to index
        %get3A_524 = arith.constant 16 : index
        %get3A_525 = tpu.vector_load %arg13[%get3A_522, %get3A_523, %get3A_524] {strides = array<i32>} : memref<2x200x64xf32, #tpu.memory_space<vmem>>, vector<1x1x16xf32>,
        %get3A_526 = vector.shape_cast %get3A_525 : vector<1x1x16xf32> to vector<16xf32>
        %add3A_527 = arith.addf %get3A_520, %get3A_526 : vector<16xf32>
        %get3A_528 = arith.index_cast %scan3A_496 : i32 to index
        %get3A_529 = arith.constant 16 : index
        %get3A_530 = tpu.vector_load %arg14[%get3A_528, %get3A_529] {strides = array<i32>} : memref<200x64xf32, #tpu.memory_space<vmem>>, vector<1x16xf32>,
        %get3A_531 = vector.shape_cast %get3A_530 : vector<1x16xf32> to vector<16xf32>
        %add3A_532 = arith.addf %add3A_527, %get3A_531 : vector<16xf32>
        %get3A_533 = arith.constant 0 : i32
        %get3A_534 = arith.index_cast %get3A_533 : i32 to index
        %get3A_535 = arith.index_cast %scan3A_496 : i32 to index
        %get3A_536 = arith.constant 32 : index
        %get3A_537 = tpu.vector_load %arg12[%get3A_534, %get3A_535, %get3A_536] {strides = array<i32>} : memref<2x200x64xf32, #tpu.memory_space<vmem>>, vector<1x1x16xf32>,
        %get3A_538 = vector.shape_cast %get3A_537 : vector<1x1x16xf32> to vector<16xf32>
        %get3A_539 = arith.constant 0 : i32
        %get3A_540 = arith.index_cast %get3A_539 : i32 to index
        %get3A_541 = arith.index_cast %scan3A_496 : i32 to index
        %get3A_542 = arith.constant 32 : index
        %get3A_543 = tpu.vector_load %arg13[%get3A_540, %get3A_541, %get3A_542] {strides = array<i32>} : memref<2x200x64xf32, #tpu.memory_space<vmem>>, vector<1x1x16xf32>,
        %get3A_544 = vector.shape_cast %get3A_543 : vector<1x1x16xf32> to vector<16xf32>
        %add3A_545 = arith.addf %get3A_538, %get3A_544 : vector<16xf32>
        %get3A_546 = arith.index_cast %scan3A_496 : i32 to index
        %get3A_547 = arith.constant 32 : index
        %get3A_548 = tpu.vector_load %arg14[%get3A_546, %get3A_547] {strides = array<i32>} : memref<200x64xf32, #tpu.memory_space<vmem>>, vector<1x16xf32>,
        %get3A_549 = vector.shape_cast %get3A_548 : vector<1x16xf32> to vector<16xf32>
        %add3A_550 = arith.addf %add3A_545, %get3A_549 : vector<16xf32>
        %get3A_551 = arith.constant 0 : i32
        %get3A_552 = arith.index_cast %get3A_551 : i32 to index
        %get3A_553 = arith.index_cast %scan3A_496 : i32 to index
        %get3A_554 = arith.constant 48 : index
        %get3A_555 = tpu.vector_load %arg12[%get3A_552, %get3A_553, %get3A_554] {strides = array<i32>} : memref<2x200x64xf32, #tpu.memory_space<vmem>>, vector<1x1x16xf32>,
        %get3A_556 = vector.shape_cast %get3A_555 : vector<1x1x16xf32> to vector<16xf32>
        %get3A_557 = arith.constant 0 : i32
        %get3A_558 = arith.index_cast %get3A_557 : i32 to index
        %get3A_559 = arith.index_cast %scan3A_496 : i32 to index
        %get3A_560 = arith.constant 48 : index
        %get3A_561 = tpu.vector_load %arg13[%get3A_558, %get3A_559, %get3A_560] {strides = array<i32>} : memref<2x200x64xf32, #tpu.memory_space<vmem>>, vector<1x1x16xf32>,
        %get3A_562 = vector.shape_cast %get3A_561 : vector<1x1x16xf32> to vector<16xf32>
        %add3A_563 = arith.addf %get3A_556, %get3A_562 : vector<16xf32>
        %get3A_564 = arith.index_cast %scan3A_496 : i32 to index
        %get3A_565 = arith.constant 48 : index
        %get3A_566 = tpu.vector_load %arg14[%get3A_564, %get3A_565] {strides = array<i32>} : memref<200x64xf32, #tpu.memory_space<vmem>>, vector<1x16xf32>,
        %get3A_567 = vector.shape_cast %get3A_566 : vector<1x16xf32> to vector<16xf32>
        %add3A_568 = arith.addf %add3A_563, %get3A_567 : vector<16xf32>
        %add3A_569 = arith.addf %add3A_514, %add3A_532 : vector<16xf32>
        %add3A_570 = arith.addf %add3A_550, %add3A_568 : vector<16xf32>
        %add3A_571 = arith.addf %add3A_569, %add3A_570 : vector<16xf32>
        %mul3A_572 = arith.mulf %add3A_514, %add3A_514 : vector<16xf32>
        %mul3A_573 = arith.mulf %add3A_532, %add3A_532 : vector<16xf32>
        %add3A_574 = arith.addf %mul3A_572, %mul3A_573 : vector<16xf32>
        %mul3A_575 = arith.mulf %add3A_550, %add3A_550 : vector<16xf32>
        %mul3A_576 = arith.mulf %add3A_568, %add3A_568 : vector<16xf32>
        %add3A_577 = arith.addf %mul3A_575, %mul3A_576 : vector<16xf32>
        %add3A_578 = arith.addf %add3A_574, %add3A_577 : vector<16xf32>
        %broadcast_in_dim3A = vector.shape_cast %and3A_30 : vector<16xi32> to vector<16x1xi32>
        %gather3A = vector.shape_cast %broadcast_in_dim3A : vector<16x1xi32> to vector<16xi32>
        %gather3A_579 = tpu.dynamic_gather %add3A_571[%gather3A] in [0] : vector<16xf32>, vector<16xi32> -> vector<16xf32>
        %add3A_580 = arith.addf %add3A_571, %gather3A_579 : vector<16xf32>
        %broadcast_in_dim3A_581 = vector.shape_cast %and3A_36 : vector<16xi32> to vector<16x1xi32>
        %gather3A_582 = vector.shape_cast %broadcast_in_dim3A_581 : vector<16x1xi32> to vector<16xi32>
        %gather3A_583 = tpu.dynamic_gather %add3A_580[%gather3A_582] in [0] : vector<16xf32>, vector<16xi32> -> vector<16xf32>
        %add3A_584 = arith.addf %add3A_580, %gather3A_583 : vector<16xf32>
        %broadcast_in_dim3A_585 = vector.shape_cast %and3A_42 : vector<16xi32> to vector<16x1xi32>
        %gather3A_586 = vector.shape_cast %broadcast_in_dim3A_585 : vector<16x1xi32> to vector<16xi32>
        %gather3A_587 = tpu.dynamic_gather %add3A_584[%gather3A_586] in [0] : vector<16xf32>, vector<16xi32> -> vector<16xf32>
        %add3A_588 = arith.addf %add3A_584, %gather3A_587 : vector<16xf32>
        %broadcast_in_dim3A_589 = vector.shape_cast %and3A_48 : vector<16xi32> to vector<16x1xi32>
        %gather3A_590 = vector.shape_cast %broadcast_in_dim3A_589 : vector<16x1xi32> to vector<16xi32>
        %gather3A_591 = tpu.dynamic_gather %add3A_588[%gather3A_590] in [0] : vector<16xf32>, vector<16xi32> -> vector<16xf32>
        %add3A_592 = arith.addf %add3A_588, %gather3A_591 : vector<16xf32>
        %mul3A_593 = arith.constant 1.562500e-02 : f32
        %mul3A_594 = vector.broadcast %mul3A_593 : f32 to vector<16xf32>
        %mul3A_595 = arith.mulf %add3A_592, %mul3A_594 : vector<16xf32>
        %broadcast_in_dim3A_596 = vector.shape_cast %and3A_30 : vector<16xi32> to vector<16x1xi32>
        %gather3A_597 = vector.shape_cast %broadcast_in_dim3A_596 : vector<16x1xi32> to vector<16xi32>
        %gather3A_598 = tpu.dynamic_gather %add3A_578[%gather3A_597] in [0] : vector<16xf32>, vector<16xi32> -> vector<16xf32>
        %add3A_599 = arith.addf %add3A_578, %gather3A_598 : vector<16xf32>
        %broadcast_in_dim3A_600 = vector.shape_cast %and3A_36 : vector<16xi32> to vector<16x1xi32>
        %gather3A_601 = vector.shape_cast %broadcast_in_dim3A_600 : vector<16x1xi32> to vector<16xi32>
        %gather3A_602 = tpu.dynamic_gather %add3A_599[%gather3A_601] in [0] : vector<16xf32>, vector<16xi32> -> vector<16xf32>
        %add3A_603 = arith.addf %add3A_599, %gather3A_602 : vector<16xf32>
        %broadcast_in_dim3A_604 = vector.shape_cast %and3A_42 : vector<16xi32> to vector<16x1xi32>
        %gather3A_605 = vector.shape_cast %broadcast_in_dim3A_604 : vector<16x1xi32> to vector<16xi32>
        %gather3A_606 = tpu.dynamic_gather %add3A_603[%gather3A_605] in [0] : vector<16xf32>, vector<16xi32> -> vector<16xf32>
        %add3A_607 = arith.addf %add3A_603, %gather3A_606 : vector<16xf32>
        %broadcast_in_dim3A_608 = vector.shape_cast %and3A_48 : vector<16xi32> to vector<16x1xi32>
        %gather3A_609 = vector.shape_cast %broadcast_in_dim3A_608 : vector<16x1xi32> to vector<16xi32>
        %gather3A_610 = tpu.dynamic_gather %add3A_607[%gather3A_609] in [0] : vector<16xf32>, vector<16xi32> -> vector<16xf32>
        %add3A_611 = arith.addf %add3A_607, %gather3A_610 : vector<16xf32>
        %mul3A_612 = arith.constant 1.562500e-02 : f32
        %mul3A_613 = vector.broadcast %mul3A_612 : f32 to vector<16xf32>
        %mul3A_614 = arith.mulf %add3A_611, %mul3A_613 : vector<16xf32>
        %mul3A_615 = arith.mulf %mul3A_595, %mul3A_595 : vector<16xf32>
        %sub3A = arith.subf %mul3A_614, %mul3A_615 : vector<16xf32>
        %add3A_616 = arith.constant 9.99999974E-6 : f32
        %add3A_617 = vector.broadcast %add3A_616 : f32 to vector<16xf32>
        %add3A_618 = arith.addf %sub3A, %add3A_617 : vector<16xf32>
        %bitcast_convert_type3A = tpu.bitcast %add3A_618 : vector<16xf32> -> vector<16xi32>
        %shift_right_arithmetic3A = arith.constant 1 : i32
        %shift_right_arithmetic3A_619 = vector.broadcast %shift_right_arithmetic3A : i32 to vector<16xi32>
        %shift_right_arithmetic3A_620 = arith.shrsi %bitcast_convert_type3A, %shift_right_arithmetic3A_619 : vector<16xi32>
        %sub3A_621 = arith.constant 1597463007 : i32
        %sub3A_622 = vector.broadcast %sub3A_621 : i32 to vector<16xi32>
        %sub3A_623 = arith.subi %sub3A_622, %shift_right_arithmetic3A_620 : vector<16xi32>
        %bitcast_convert_type3A_624 = tpu.bitcast %sub3A_623 : vector<16xi32> -> vector<16xf32>
        %mul3A_625 = arith.constant 5.000000e-01 : f32
        %mul3A_626 = vector.broadcast %mul3A_625 : f32 to vector<16xf32>
        %mul3A_627 = arith.mulf %mul3A_626, %add3A_618 : vector<16xf32>
        %mul3A_628 = arith.mulf %mul3A_627, %bitcast_convert_type3A_624 : vector<16xf32>
        %mul3A_629 = arith.mulf %mul3A_628, %bitcast_convert_type3A_624 : vector<16xf32>
        %sub3A_630 = arith.constant 1.500000e+00 : f32
        %sub3A_631 = vector.broadcast %sub3A_630 : f32 to vector<16xf32>
        %sub3A_632 = arith.subf %sub3A_631, %mul3A_629 : vector<16xf32>
        %mul3A_633 = arith.mulf %bitcast_convert_type3A_624, %sub3A_632 : vector<16xf32>
        %mul3A_634 = arith.constant 5.000000e-01 : f32
        %mul3A_635 = vector.broadcast %mul3A_634 : f32 to vector<16xf32>
        %mul3A_636 = arith.mulf %mul3A_635, %add3A_618 : vector<16xf32>
        %mul3A_637 = arith.mulf %mul3A_636, %mul3A_633 : vector<16xf32>
        %mul3A_638 = arith.mulf %mul3A_637, %mul3A_633 : vector<16xf32>
        %sub3A_639 = arith.constant 1.500000e+00 : f32
        %sub3A_640 = vector.broadcast %sub3A_639 : f32 to vector<16xf32>
        %sub3A_641 = arith.subf %sub3A_640, %mul3A_638 : vector<16xf32>
        %mul3A_642 = arith.mulf %mul3A_633, %sub3A_641 : vector<16xf32>
        %mul3A_643 = arith.constant 5.000000e-01 : f32
        %mul3A_644 = vector.broadcast %mul3A_643 : f32 to vector<16xf32>
        %mul3A_645 = arith.mulf %mul3A_644, %add3A_618 : vector<16xf32>
        %mul3A_646 = arith.mulf %mul3A_645, %mul3A_642 : vector<16xf32>
        %mul3A_647 = arith.mulf %mul3A_646, %mul3A_642 : vector<16xf32>
        %sub3A_648 = arith.constant 1.500000e+00 : f32
        %sub3A_649 = vector.broadcast %sub3A_648 : f32 to vector<16xf32>
        %sub3A_650 = arith.subf %sub3A_649, %mul3A_647 : vector<16xf32>
        %mul3A_651 = arith.mulf %mul3A_642, %sub3A_650 : vector<16xf32>
        %sub3A_652 = arith.subf %add3A_514, %mul3A_595 : vector<16xf32>
        %mul3A_653 = arith.mulf %sub3A_652, %mul3A_651 : vector<16xf32>
        %mul3A_654 = arith.mulf %mul3A_653, %get3A_2 : vector<16xf32>
        %add3A_655 = arith.addf %mul3A_654, %get3A_14 : vector<16xf32>
        %swap3A = arith.constant 0 : i32
        %swap3A_656 = arith.index_cast %swap3A : i32 to index
        %swap3A_657 = arith.index_cast %scan3A_496 : i32 to index
        %swap3A_658 = arith.constant 0 : index
        %swap3A_659 = tpu.vector_load %arg15[%swap3A_656, %swap3A_657, %swap3A_658] {strides = array<i32>} : memref<2x200x64xf32, #tpu.memory_space<vmem>>, vector<1x1x16xf32>,
        %swap3A_660 = vector.shape_cast %swap3A_659 : vector<1x1x16xf32> to vector<16xf32>
        %swap3A_661 = vector.shape_cast %add3A_655 : vector<16xf32> to vector<1x1x16xf32>
        tpu.vector_store %arg15[%swap3A_656, %swap3A_657, %swap3A_658], %swap3A_661 {strides = array<i32>} : memref<2x200x64xf32, #tpu.memory_space<vmem>>, vector<1x1x16xf32>,
        %sub3A_662 = arith.subf %add3A_532, %mul3A_595 : vector<16xf32>
        %mul3A_663 = arith.mulf %sub3A_662, %mul3A_651 : vector<16xf32>
        %mul3A_664 = arith.mulf %mul3A_663, %get3A_5 : vector<16xf32>
        %add3A_665 = arith.addf %mul3A_664, %get3A_17 : vector<16xf32>
        %swap3A_666 = arith.constant 0 : i32
        %swap3A_667 = arith.index_cast %swap3A_666 : i32 to index
        %swap3A_668 = arith.index_cast %scan3A_496 : i32 to index
        %swap3A_669 = arith.constant 16 : index
        %swap3A_670 = tpu.vector_load %arg15[%swap3A_667, %swap3A_668, %swap3A_669] {strides = array<i32>} : memref<2x200x64xf32, #tpu.memory_space<vmem>>, vector<1x1x16xf32>,
        %swap3A_671 = vector.shape_cast %swap3A_670 : vector<1x1x16xf32> to vector<16xf32>
        %swap3A_672 = vector.shape_cast %add3A_665 : vector<16xf32> to vector<1x1x16xf32>
        tpu.vector_store %arg15[%swap3A_667, %swap3A_668, %swap3A_669], %swap3A_672 {strides = array<i32>} : memref<2x200x64xf32, #tpu.memory_space<vmem>>, vector<1x1x16xf32>,
        %sub3A_673 = arith.subf %add3A_550, %mul3A_595 : vector<16xf32>
        %mul3A_674 = arith.mulf %sub3A_673, %mul3A_651 : vector<16xf32>
        %mul3A_675 = arith.mulf %mul3A_674, %get3A_8 : vector<16xf32>
        %add3A_676 = arith.addf %mul3A_675, %get3A_20 : vector<16xf32>
        %swap3A_677 = arith.constant 0 : i32
        %swap3A_678 = arith.index_cast %swap3A_677 : i32 to index
        %swap3A_679 = arith.index_cast %scan3A_496 : i32 to index
        %swap3A_680 = arith.constant 32 : index
        %swap3A_681 = tpu.vector_load %arg15[%swap3A_678, %swap3A_679, %swap3A_680] {strides = array<i32>} : memref<2x200x64xf32, #tpu.memory_space<vmem>>, vector<1x1x16xf32>,
        %swap3A_682 = vector.shape_cast %swap3A_681 : vector<1x1x16xf32> to vector<16xf32>
        %swap3A_683 = vector.shape_cast %add3A_676 : vector<16xf32> to vector<1x1x16xf32>
        tpu.vector_store %arg15[%swap3A_678, %swap3A_679, %swap3A_680], %swap3A_683 {strides = array<i32>} : memref<2x200x64xf32, #tpu.memory_space<vmem>>, vector<1x1x16xf32>,
        %sub3A_684 = arith.subf %add3A_568, %mul3A_595 : vector<16xf32>
        %mul3A_685 = arith.mulf %sub3A_684, %mul3A_651 : vector<16xf32>
        %mul3A_686 = arith.mulf %mul3A_685, %get3A_11 : vector<16xf32>
        %add3A_687 = arith.addf %mul3A_686, %get3A_23 : vector<16xf32>
        %swap3A_688 = arith.constant 0 : i32
        %swap3A_689 = arith.index_cast %swap3A_688 : i32 to index
        %swap3A_690 = arith.index_cast %scan3A_496 : i32 to index
        %swap3A_691 = arith.constant 48 : index
        %swap3A_692 = tpu.vector_load %arg15[%swap3A_689, %swap3A_690, %swap3A_691] {strides = array<i32>} : memref<2x200x64xf32, #tpu.memory_space<vmem>>, vector<1x1x16xf32>,
        %swap3A_693 = vector.shape_cast %swap3A_692 : vector<1x1x16xf32> to vector<16xf32>
        %swap3A_694 = vector.shape_cast %add3A_687 : vector<16xf32> to vector<1x1x16xf32>
        tpu.vector_store %arg15[%swap3A_689, %swap3A_690, %swap3A_691], %swap3A_694 {strides = array<i32>} : memref<2x200x64xf32, #tpu.memory_space<vmem>>, vector<1x1x16xf32>,
      }
      %scan3A_373 = arith.constant 200 : i32
      %dma_start3A_374 = arith.constant 0 : i32
      %dma_start3A_375 = arith.constant 0 : i32
      %dma_start3A_376 = arith.constant 0 : i32
      %dma_start3A_377 = tpu.memref_slice %arg15[%dma_start3A_374, %dma_start3A_375, %dma_start3A_376] : memref<2x200x64xf32, #tpu.memory_space<vmem>> -> memref<1x200x64xf32, #tpu.memory_space<vmem>>
      %dma_start3A_378 = tpu.memref_squeeze %dma_start3A_377 : memref<1x200x64xf32, #tpu.memory_space<vmem>> -> memref<200x64xf32, #tpu.memory_space<vmem>>
      %dma_start3A_379 = arith.constant 0 : i32
      %dma_start3A_380 = arith.constant 0 : i32
      %dma_start3A_381 = tpu.memref_slice %arg9[%add3A_367, %dma_start3A_379, %dma_start3A_380] : memref<4096x200x64xf32, #tpu.memory_space<hbm>> -> memref<1x200x64xf32, #tpu.memory_space<hbm>>
      %dma_start3A_382 = tpu.memref_squeeze %dma_start3A_381 : memref<1x200x64xf32, #tpu.memory_space<hbm>> -> memref<200x64xf32, #tpu.memory_space<hbm>>
      %dma_start3A_383 = arith.constant 0 : i32
      %dma_start3A_384 = arith.constant 0 : i32
      %dma_start3A_385 = tpu.memref_slice %arg9[%add3A_367, %dma_start3A_383, %dma_start3A_384] : memref<4096x200x64xf32, #tpu.memory_space<hbm>> -> memref<1x200x64xf32, #tpu.memory_space<hbm>>
      %dma_start3A_386 = tpu.memref_squeeze %dma_start3A_385 : memref<1x200x64xf32, #tpu.memory_space<hbm>> -> memref<200x64xf32, #tpu.memory_space<hbm>>
      %dma_start3A_387 = arith.constant 0 : i32
      %dma_start3A_388 = arith.constant 0 : i32
      %dma_start3A_389 = tpu.memref_slice %arg15[%dma_start3A_374, %dma_start3A_387, %dma_start3A_388] : memref<2x200x64xf32, #tpu.memory_space<vmem>> -> memref<1x200x64xf32, #tpu.memory_space<vmem>>
      %dma_start3A_390 = tpu.memref_squeeze %dma_start3A_389 : memref<1x200x64xf32, #tpu.memory_space<vmem>> -> memref<200x64xf32, #tpu.memory_space<vmem>>
      tpu.enqueue_dma source(%dma_start3A_390 : memref<200x64xf32, #tpu.memory_space<vmem>>) target(%dma_start3A_386 : memref<200x64xf32, #tpu.memory_space<hbm>>) target_semaphore(%arg22 : memref<!tpu.dma_semaphore, #tpu.memory_space<semaphore_mem>>)
      %mul3A_391 = arith.constant 2 : i32
      %mul3A_392 = arith.muli %mul3A_391, %scan3A_218 : i32
      %add3A_393 = arith.constant 1 : i32
      %add3A_394 = arith.addi %mul3A_392, %add3A_393 : i32
      %ge3A_395 = arith.constant 63 : i32
      %ge3A_396 = arith.cmpi sge, %scan3A_218, %ge3A_395 : i32
      %not3A_397 = arith.constant true
      %not3A_398 = arith.xori %ge3A_396, %not3A_397 : i1
      %convert_element_type3A_399 = arith.extui %not3A_398 : i1 to i32
      %cond3A_400 = arith.constant 0 : i32
      %cond3A_401 = arith.cmpi ne, %convert_element_type3A_399, %cond3A_400 : i32
      scf.if %cond3A_401 {
        %dma_wait3A_496 = arith.constant 0 : i32
        %dma_wait3A_497 = arith.constant 0 : i32
        %dma_wait3A_498 = arith.constant 0 : i32
        %dma_wait3A_499 = tpu.memref_slice %arg10[%dma_wait3A_497, %dma_wait3A_498] : memref<2x200xi32, #tpu.memory_space<vmem>> -> memref<1x200xi32, #tpu.memory_space<vmem>>
        %dma_wait3A_500 = tpu.memref_squeeze %dma_wait3A_499 : memref<1x200xi32, #tpu.memory_space<vmem>> -> memref<200xi32, #tpu.memory_space<vmem>>
        %dma_wait3A_501 = arith.constant 0 : i32
        %dma_wait3A_502 = tpu.memref_slice %arg2[%dma_wait3A_496, %dma_wait3A_501] : memref<4096x200xi32, #tpu.memory_space<hbm>> -> memref<1x200xi32, #tpu.memory_space<hbm>>
        %dma_wait3A_503 = tpu.memref_squeeze %dma_wait3A_502 : memref<1x200xi32, #tpu.memory_space<hbm>> -> memref<200xi32, #tpu.memory_space<hbm>>
        %dma_wait3A_504 = arith.constant 0 : i32
        %dma_wait3A_505 = tpu.memref_slice %arg10[%dma_wait3A_497, %dma_wait3A_504] : memref<2x200xi32, #tpu.memory_space<vmem>> -> memref<1x200xi32, #tpu.memory_space<vmem>>
        %dma_wait3A_506 = tpu.memref_squeeze %dma_wait3A_505 : memref<1x200xi32, #tpu.memory_space<vmem>> -> memref<200xi32, #tpu.memory_space<vmem>>
        %dma_wait3A_507 = arith.constant 0 : i32
        %dma_wait3A_508 = tpu.memref_slice %arg2[%dma_wait3A_496, %dma_wait3A_507] : memref<4096x200xi32, #tpu.memory_space<hbm>> -> memref<1x200xi32, #tpu.memory_space<hbm>>
        %dma_wait3A_509 = tpu.memref_squeeze %dma_wait3A_508 : memref<1x200xi32, #tpu.memory_space<hbm>> -> memref<200xi32, #tpu.memory_space<hbm>>
        tpu.wait_dma2 semaphore(%arg18 : memref<!tpu.dma_semaphore, #tpu.memory_space<semaphore_mem>>) src(%dma_wait3A_509 : memref<200xi32, #tpu.memory_space<hbm>>) dst(%dma_wait3A_506 : memref<200xi32, #tpu.memory_space<vmem>>)
        %dma_wait3A_510 = arith.constant 0 : i32
        %dma_wait3A_511 = arith.constant 0 : i32
        %dma_wait3A_512 = arith.constant 0 : i32
        %dma_wait3A_513 = tpu.memref_slice %arg11[%dma_wait3A_511, %dma_wait3A_512] : memref<2x200xi32, #tpu.memory_space<vmem>> -> memref<1x200xi32, #tpu.memory_space<vmem>>
        %dma_wait3A_514 = tpu.memref_squeeze %dma_wait3A_513 : memref<1x200xi32, #tpu.memory_space<vmem>> -> memref<200xi32, #tpu.memory_space<vmem>>
        %dma_wait3A_515 = arith.constant 0 : i32
        %dma_wait3A_516 = tpu.memref_slice %arg3[%dma_wait3A_510, %dma_wait3A_515] : memref<4096x200xi32, #tpu.memory_space<hbm>> -> memref<1x200xi32, #tpu.memory_space<hbm>>
        %dma_wait3A_517 = tpu.memref_squeeze %dma_wait3A_516 : memref<1x200xi32, #tpu.memory_space<hbm>> -> memref<200xi32, #tpu.memory_space<hbm>>
        %dma_wait3A_518 = arith.constant 0 : i32
        %dma_wait3A_519 = tpu.memref_slice %arg11[%dma_wait3A_511, %dma_wait3A_518] : memref<2x200xi32, #tpu.memory_space<vmem>> -> memref<1x200xi32, #tpu.memory_space<vmem>>
        %dma_wait3A_520 = tpu.memref_squeeze %dma_wait3A_519 : memref<1x200xi32, #tpu.memory_space<vmem>> -> memref<200xi32, #tpu.memory_space<vmem>>
        %dma_wait3A_521 = arith.constant 0 : i32
        %dma_wait3A_522 = tpu.memref_slice %arg3[%dma_wait3A_510, %dma_wait3A_521] : memref<4096x200xi32, #tpu.memory_space<hbm>> -> memref<1x200xi32, #tpu.memory_space<hbm>>
        %dma_wait3A_523 = tpu.memref_squeeze %dma_wait3A_522 : memref<1x200xi32, #tpu.memory_space<hbm>> -> memref<200xi32, #tpu.memory_space<hbm>>
        tpu.wait_dma2 semaphore(%arg18 : memref<!tpu.dma_semaphore, #tpu.memory_space<semaphore_mem>>) src(%dma_wait3A_523 : memref<200xi32, #tpu.memory_space<hbm>>) dst(%dma_wait3A_520 : memref<200xi32, #tpu.memory_space<vmem>>)
        %dma_start3A_524 = arith.constant 0 : i32
        %dma_start3A_525 = arith.constant 0 : i32
        %dma_start3A_526 = arith.constant 0 : i32
        %dma_start3A_527 = arith.constant 0 : i32
        %dma_start3A_528 = tpu.memref_slice %arg12[%dma_start3A_525, %dma_start3A_526, %dma_start3A_527] : memref<2x200x64xf32, #tpu.memory_space<vmem>> -> memref<1x120x64xf32, #tpu.memory_space<vmem>>
        %dma_start3A_529 = tpu.memref_squeeze %dma_start3A_528 : memref<1x120x64xf32, #tpu.memory_space<vmem>> -> memref<120x64xf32, #tpu.memory_space<vmem>>
        %dma_start3A_530 = arith.constant 0 : i32
        %dma_start3A_531 = tpu.memref_slice %arg10[%dma_start3A_524, %dma_start3A_530] : memref<2x200xi32, #tpu.memory_space<vmem>> -> memref<1x120xi32, #tpu.memory_space<vmem>>
        %dma_start3A_532 = tpu.memref_squeeze %dma_start3A_531 : memref<1x120xi32, #tpu.memory_space<vmem>> -> memref<120xi32, #tpu.memory_space<vmem>>
        %dma_start3A_533 = arith.constant 0 : i32
        %dma_start3A_534 = arith.constant 0 : i32
        %dma_start3A_535 = tpu.memref_slice %arg4[%dma_start3A_533, %dma_start3A_534] : memref<1000000x64xf32, #tpu.memory_space<hbm>> -> memref<1000000x64xf32, #tpu.memory_space<hbm>>
        tpu.enqueue_indirect_dma source(%dma_start3A_535 : memref<1000000x64xf32, #tpu.memory_space<hbm>>) target(%dma_start3A_529 : memref<120x64xf32, #tpu.memory_space<vmem>>) offsets(%dma_start3A_532 : memref<120xi32, #tpu.memory_space<vmem>>) semaphore(%arg20 : memref<!tpu.dma_semaphore, #tpu.memory_space<semaphore_mem>>)
        %dma_start3A_536 = arith.constant 0 : i32
        %dma_start3A_537 = arith.constant 0 : i32
        %dma_start3A_538 = arith.constant 0 : i32
        %dma_start3A_539 = arith.constant 0 : i32
        %dma_start3A_540 = tpu.memref_slice %arg13[%dma_start3A_537, %dma_start3A_538, %dma_start3A_539] : memref<2x200x64xf32, #tpu.memory_space<vmem>> -> memref<1x120x64xf32, #tpu.memory_space<vmem>>
        %dma_start3A_541 = tpu.memref_squeeze %dma_start3A_540 : memref<1x120x64xf32, #tpu.memory_space<vmem>> -> memref<120x64xf32, #tpu.memory_space<vmem>>
        %dma_start3A_542 = arith.constant 0 : i32
        %dma_start3A_543 = tpu.memref_slice %arg11[%dma_start3A_536, %dma_start3A_542] : memref<2x200xi32, #tpu.memory_space<vmem>> -> memref<1x120xi32, #tpu.memory_space<vmem>>
        %dma_start3A_544 = tpu.memref_squeeze %dma_start3A_543 : memref<1x120xi32, #tpu.memory_space<vmem>> -> memref<120xi32, #tpu.memory_space<vmem>>
        %dma_start3A_545 = arith.constant 0 : i32
        %dma_start3A_546 = arith.constant 0 : i32
        %dma_start3A_547 = tpu.memref_slice %arg5[%dma_start3A_545, %dma_start3A_546] : memref<86404x64xf32, #tpu.memory_space<hbm>> -> memref<86404x64xf32, #tpu.memory_space<hbm>>
        tpu.enqueue_indirect_dma source(%dma_start3A_547 : memref<86404x64xf32, #tpu.memory_space<hbm>>) target(%dma_start3A_541 : memref<120x64xf32, #tpu.memory_space<vmem>>) offsets(%dma_start3A_544 : memref<120xi32, #tpu.memory_space<vmem>>) semaphore(%arg20 : memref<!tpu.dma_semaphore, #tpu.memory_space<semaphore_mem>>)
        %dma_start3A_548 = arith.constant 0 : i32
        %dma_start3A_549 = arith.constant 0 : i32
        %dma_start3A_550 = arith.constant 120 : i32
        %dma_start3A_551 = arith.constant 0 : i32
        %dma_start3A_552 = tpu.memref_slice %arg12[%dma_start3A_549, %dma_start3A_550, %dma_start3A_551] : memref<2x200x64xf32, #tpu.memory_space<vmem>> -> memref<1x80x64xf32, #tpu.memory_space<vmem>>
        %dma_start3A_553 = tpu.memref_squeeze %dma_start3A_552 : memref<1x80x64xf32, #tpu.memory_space<vmem>> -> memref<80x64xf32, #tpu.memory_space<vmem>>
        %dma_start3A_554 = arith.constant 120 : i32
        %dma_start3A_555 = tpu.memref_slice %arg10[%dma_start3A_548, %dma_start3A_554] : memref<2x200xi32, #tpu.memory_space<vmem>> -> memref<1x80xi32, #tpu.memory_space<vmem>>
        %dma_start3A_556 = tpu.memref_squeeze %dma_start3A_555 : memref<1x80xi32, #tpu.memory_space<vmem>> -> memref<80xi32, #tpu.memory_space<vmem>>
        %dma_start3A_557 = arith.constant 0 : i32
        %dma_start3A_558 = arith.constant 0 : i32
        %dma_start3A_559 = tpu.memref_slice %arg4[%dma_start3A_557, %dma_start3A_558] : memref<1000000x64xf32, #tpu.memory_space<hbm>> -> memref<1000000x64xf32, #tpu.memory_space<hbm>>
        tpu.enqueue_indirect_dma source(%dma_start3A_559 : memref<1000000x64xf32, #tpu.memory_space<hbm>>) target(%dma_start3A_553 : memref<80x64xf32, #tpu.memory_space<vmem>>) offsets(%dma_start3A_556 : memref<80xi32, #tpu.memory_space<vmem>>) semaphore(%arg20 : memref<!tpu.dma_semaphore, #tpu.memory_space<semaphore_mem>>)
        %dma_start3A_560 = arith.constant 0 : i32
        %dma_start3A_561 = arith.constant 0 : i32
        %dma_start3A_562 = arith.constant 120 : i32
        %dma_start3A_563 = arith.constant 0 : i32
        %dma_start3A_564 = tpu.memref_slice %arg13[%dma_start3A_561, %dma_start3A_562, %dma_start3A_563] : memref<2x200x64xf32, #tpu.memory_space<vmem>> -> memref<1x80x64xf32, #tpu.memory_space<vmem>>
        %dma_start3A_565 = tpu.memref_squeeze %dma_start3A_564 : memref<1x80x64xf32, #tpu.memory_space<vmem>> -> memref<80x64xf32, #tpu.memory_space<vmem>>
        %dma_start3A_566 = arith.constant 120 : i32
        %dma_start3A_567 = tpu.memref_slice %arg11[%dma_start3A_560, %dma_start3A_566] : memref<2x200xi32, #tpu.memory_space<vmem>> -> memref<1x80xi32, #tpu.memory_space<vmem>>
        %dma_start3A_568 = tpu.memref_squeeze %dma_start3A_567 : memref<1x80xi32, #tpu.memory_space<vmem>> -> memref<80xi32, #tpu.memory_space<vmem>>
        %dma_start3A_569 = arith.constant 0 : i32
        %dma_start3A_570 = arith.constant 0 : i32
        %dma_start3A_571 = tpu.memref_slice %arg5[%dma_start3A_569, %dma_start3A_570] : memref<86404x64xf32, #tpu.memory_space<hbm>> -> memref<86404x64xf32, #tpu.memory_space<hbm>>
        tpu.enqueue_indirect_dma source(%dma_start3A_571 : memref<86404x64xf32, #tpu.memory_space<hbm>>) target(%dma_start3A_565 : memref<80x64xf32, #tpu.memory_space<vmem>>) offsets(%dma_start3A_568 : memref<80xi32, #tpu.memory_space<vmem>>) semaphore(%arg20 : memref<!tpu.dma_semaphore, #tpu.memory_space<semaphore_mem>>)
      } else {
      }
      %dma_wait3A_402 = arith.constant 1 : i32
      %dma_wait3A_403 = arith.constant 0 : i32
      %dma_wait3A_404 = arith.constant 0 : i32
      %dma_wait3A_405 = tpu.memref_slice %arg12[%dma_wait3A_402, %dma_wait3A_403, %dma_wait3A_404] : memref<2x200x64xf32, #tpu.memory_space<vmem>> -> memref<1x120x64xf32, #tpu.memory_space<vmem>>
      %dma_wait3A_406 = tpu.memref_squeeze %dma_wait3A_405 : memref<1x120x64xf32, #tpu.memory_space<vmem>> -> memref<120x64xf32, #tpu.memory_space<vmem>>
      %dma_wait3A_407 = arith.constant 0 : i32
      %dma_wait3A_408 = arith.constant 0 : i32
      %dma_wait3A_409 = tpu.memref_slice %arg4[%dma_wait3A_407, %dma_wait3A_408] : memref<1000000x64xf32, #tpu.memory_space<hbm>> -> memref<120x64xf32, #tpu.memory_space<hbm>>
      %dma_wait3A_410 = arith.constant 0 : i32
      %dma_wait3A_411 = arith.constant 0 : i32
      %dma_wait3A_412 = tpu.memref_slice %arg12[%dma_wait3A_402, %dma_wait3A_410, %dma_wait3A_411] : memref<2x200x64xf32, #tpu.memory_space<vmem>> -> memref<1x120x64xf32, #tpu.memory_space<vmem>>
      %dma_wait3A_413 = tpu.memref_squeeze %dma_wait3A_412 : memref<1x120x64xf32, #tpu.memory_space<vmem>> -> memref<120x64xf32, #tpu.memory_space<vmem>>
      %dma_wait3A_414 = arith.constant 0 : i32
      %dma_wait3A_415 = arith.constant 0 : i32
      %dma_wait3A_416 = tpu.memref_slice %arg4[%dma_wait3A_414, %dma_wait3A_415] : memref<1000000x64xf32, #tpu.memory_space<hbm>> -> memref<120x64xf32, #tpu.memory_space<hbm>>
      tpu.wait_dma2 semaphore(%arg21 : memref<!tpu.dma_semaphore, #tpu.memory_space<semaphore_mem>>) src(%dma_wait3A_416 : memref<120x64xf32, #tpu.memory_space<hbm>>) dst(%dma_wait3A_413 : memref<120x64xf32, #tpu.memory_space<vmem>>)
      %dma_wait3A_417 = arith.constant 1 : i32
      %dma_wait3A_418 = arith.constant 0 : i32
      %dma_wait3A_419 = arith.constant 0 : i32
      %dma_wait3A_420 = tpu.memref_slice %arg13[%dma_wait3A_417, %dma_wait3A_418, %dma_wait3A_419] : memref<2x200x64xf32, #tpu.memory_space<vmem>> -> memref<1x120x64xf32, #tpu.memory_space<vmem>>
      %dma_wait3A_421 = tpu.memref_squeeze %dma_wait3A_420 : memref<1x120x64xf32, #tpu.memory_space<vmem>> -> memref<120x64xf32, #tpu.memory_space<vmem>>
      %dma_wait3A_422 = arith.constant 0 : i32
      %dma_wait3A_423 = arith.constant 0 : i32
      %dma_wait3A_424 = tpu.memref_slice %arg5[%dma_wait3A_422, %dma_wait3A_423] : memref<86404x64xf32, #tpu.memory_space<hbm>> -> memref<120x64xf32, #tpu.memory_space<hbm>>
      %dma_wait3A_425 = arith.constant 0 : i32
      %dma_wait3A_426 = arith.constant 0 : i32
      %dma_wait3A_427 = tpu.memref_slice %arg13[%dma_wait3A_417, %dma_wait3A_425, %dma_wait3A_426] : memref<2x200x64xf32, #tpu.memory_space<vmem>> -> memref<1x120x64xf32, #tpu.memory_space<vmem>>
      %dma_wait3A_428 = tpu.memref_squeeze %dma_wait3A_427 : memref<1x120x64xf32, #tpu.memory_space<vmem>> -> memref<120x64xf32, #tpu.memory_space<vmem>>
      %dma_wait3A_429 = arith.constant 0 : i32
      %dma_wait3A_430 = arith.constant 0 : i32
      %dma_wait3A_431 = tpu.memref_slice %arg5[%dma_wait3A_429, %dma_wait3A_430] : memref<86404x64xf32, #tpu.memory_space<hbm>> -> memref<120x64xf32, #tpu.memory_space<hbm>>
      tpu.wait_dma2 semaphore(%arg21 : memref<!tpu.dma_semaphore, #tpu.memory_space<semaphore_mem>>) src(%dma_wait3A_431 : memref<120x64xf32, #tpu.memory_space<hbm>>) dst(%dma_wait3A_428 : memref<120x64xf32, #tpu.memory_space<vmem>>)
      %dma_wait3A_432 = arith.constant 1 : i32
      %dma_wait3A_433 = arith.constant 120 : i32
      %dma_wait3A_434 = arith.constant 0 : i32
      %dma_wait3A_435 = tpu.memref_slice %arg12[%dma_wait3A_432, %dma_wait3A_433, %dma_wait3A_434] : memref<2x200x64xf32, #tpu.memory_space<vmem>> -> memref<1x80x64xf32, #tpu.memory_space<vmem>>
      %dma_wait3A_436 = tpu.memref_squeeze %dma_wait3A_435 : memref<1x80x64xf32, #tpu.memory_space<vmem>> -> memref<80x64xf32, #tpu.memory_space<vmem>>
      %dma_wait3A_437 = arith.constant 0 : i32
      %dma_wait3A_438 = arith.constant 0 : i32
      %dma_wait3A_439 = tpu.memref_slice %arg4[%dma_wait3A_437, %dma_wait3A_438] : memref<1000000x64xf32, #tpu.memory_space<hbm>> -> memref<80x64xf32, #tpu.memory_space<hbm>>
      %dma_wait3A_440 = arith.constant 120 : i32
      %dma_wait3A_441 = arith.constant 0 : i32
      %dma_wait3A_442 = tpu.memref_slice %arg12[%dma_wait3A_432, %dma_wait3A_440, %dma_wait3A_441] : memref<2x200x64xf32, #tpu.memory_space<vmem>> -> memref<1x80x64xf32, #tpu.memory_space<vmem>>
      %dma_wait3A_443 = tpu.memref_squeeze %dma_wait3A_442 : memref<1x80x64xf32, #tpu.memory_space<vmem>> -> memref<80x64xf32, #tpu.memory_space<vmem>>
      %dma_wait3A_444 = arith.constant 0 : i32
      %dma_wait3A_445 = arith.constant 0 : i32
      %dma_wait3A_446 = tpu.memref_slice %arg4[%dma_wait3A_444, %dma_wait3A_445] : memref<1000000x64xf32, #tpu.memory_space<hbm>> -> memref<80x64xf32, #tpu.memory_space<hbm>>
      tpu.wait_dma2 semaphore(%arg21 : memref<!tpu.dma_semaphore, #tpu.memory_space<semaphore_mem>>) src(%dma_wait3A_446 : memref<80x64xf32, #tpu.memory_space<hbm>>) dst(%dma_wait3A_443 : memref<80x64xf32, #tpu.memory_space<vmem>>)
      %dma_wait3A_447 = arith.constant 1 : i32
      %dma_wait3A_448 = arith.constant 120 : i32
      %dma_wait3A_449 = arith.constant 0 : i32
      %dma_wait3A_450 = tpu.memref_slice %arg13[%dma_wait3A_447, %dma_wait3A_448, %dma_wait3A_449] : memref<2x200x64xf32, #tpu.memory_space<vmem>> -> memref<1x80x64xf32, #tpu.memory_space<vmem>>
      %dma_wait3A_451 = tpu.memref_squeeze %dma_wait3A_450 : memref<1x80x64xf32, #tpu.memory_space<vmem>> -> memref<80x64xf32, #tpu.memory_space<vmem>>
      %dma_wait3A_452 = arith.constant 0 : i32
      %dma_wait3A_453 = arith.constant 0 : i32
      %dma_wait3A_454 = tpu.memref_slice %arg5[%dma_wait3A_452, %dma_wait3A_453] : memref<86404x64xf32, #tpu.memory_space<hbm>> -> memref<80x64xf32, #tpu.memory_space<hbm>>
      %dma_wait3A_455 = arith.constant 120 : i32
      %dma_wait3A_456 = arith.constant 0 : i32
      %dma_wait3A_457 = tpu.memref_slice %arg13[%dma_wait3A_447, %dma_wait3A_455, %dma_wait3A_456] : memref<2x200x64xf32, #tpu.memory_space<vmem>> -> memref<1x80x64xf32, #tpu.memory_space<vmem>>
      %dma_wait3A_458 = tpu.memref_squeeze %dma_wait3A_457 : memref<1x80x64xf32, #tpu.memory_space<vmem>> -> memref<80x64xf32, #tpu.memory_space<vmem>>
      %dma_wait3A_459 = arith.constant 0 : i32
      %dma_wait3A_460 = arith.constant 0 : i32
      %dma_wait3A_461 = tpu.memref_slice %arg5[%dma_wait3A_459, %dma_wait3A_460] : memref<86404x64xf32, #tpu.memory_space<hbm>> -> memref<80x64xf32, #tpu.memory_space<hbm>>
      tpu.wait_dma2 semaphore(%arg21 : memref<!tpu.dma_semaphore, #tpu.memory_space<semaphore_mem>>) src(%dma_wait3A_461 : memref<80x64xf32, #tpu.memory_space<hbm>>) dst(%dma_wait3A_458 : memref<80x64xf32, #tpu.memory_space<vmem>>)
      %not3A_462 = arith.constant true
      %not3A_463 = arith.xori %ge3A_396, %not3A_462 : i1
      %convert_element_type3A_464 = arith.extui %not3A_463 : i1 to i32
      %cond3A_465 = arith.constant 0 : i32
      %cond3A_466 = arith.cmpi ne, %convert_element_type3A_464, %cond3A_465 : i32
      scf.if %cond3A_466 {
        %add3A_496 = arith.addi %mul3A_25, %add3A_394 : i32
        %add3A_497 = arith.constant 2 : i32
        %add3A_498 = arith.addi %add3A_496, %add3A_497 : i32
        %dma_start3A_499 = arith.constant 1 : i32
        %dma_start3A_500 = arith.constant 0 : i32
        %dma_start3A_501 = tpu.memref_slice %arg10[%dma_start3A_499, %dma_start3A_500] : memref<2x200xi32, #tpu.memory_space<vmem>> -> memref<1x200xi32, #tpu.memory_space<vmem>>
        %dma_start3A_502 = tpu.memref_squeeze %dma_start3A_501 : memref<1x200xi32, #tpu.memory_space<vmem>> -> memref<200xi32, #tpu.memory_space<vmem>>
        %dma_start3A_503 = arith.constant 0 : i32
        %dma_start3A_504 = tpu.memref_slice %arg2[%add3A_498, %dma_start3A_503] : memref<4096x200xi32, #tpu.memory_space<hbm>> -> memref<1x200xi32, #tpu.memory_space<hbm>>
        %dma_start3A_505 = tpu.memref_squeeze %dma_start3A_504 : memref<1x200xi32, #tpu.memory_space<hbm>> -> memref<200xi32, #tpu.memory_space<hbm>>
        %dma_start3A_506 = arith.constant 0 : i32
        %dma_start3A_507 = tpu.memref_slice %arg10[%dma_start3A_499, %dma_start3A_506] : memref<2x200xi32, #tpu.memory_space<vmem>> -> memref<1x200xi32, #tpu.memory_space<vmem>>
        %dma_start3A_508 = tpu.memref_squeeze %dma_start3A_507 : memref<1x200xi32, #tpu.memory_space<vmem>> -> memref<200xi32, #tpu.memory_space<vmem>>
        %dma_start3A_509 = arith.constant 0 : i32
        %dma_start3A_510 = tpu.memref_slice %arg2[%add3A_498, %dma_start3A_509] : memref<4096x200xi32, #tpu.memory_space<hbm>> -> memref<1x200xi32, #tpu.memory_space<hbm>>
        %dma_start3A_511 = tpu.memref_squeeze %dma_start3A_510 : memref<1x200xi32, #tpu.memory_space<hbm>> -> memref<200xi32, #tpu.memory_space<hbm>>
        tpu.enqueue_dma source(%dma_start3A_511 : memref<200xi32, #tpu.memory_space<hbm>>) target(%dma_start3A_508 : memref<200xi32, #tpu.memory_space<vmem>>) target_semaphore(%arg19 : memref<!tpu.dma_semaphore, #tpu.memory_space<semaphore_mem>>)
        %dma_start3A_512 = arith.constant 1 : i32
        %dma_start3A_513 = arith.constant 0 : i32
        %dma_start3A_514 = tpu.memref_slice %arg11[%dma_start3A_512, %dma_start3A_513] : memref<2x200xi32, #tpu.memory_space<vmem>> -> memref<1x200xi32, #tpu.memory_space<vmem>>
        %dma_start3A_515 = tpu.memref_squeeze %dma_start3A_514 : memref<1x200xi32, #tpu.memory_space<vmem>> -> memref<200xi32, #tpu.memory_space<vmem>>
        %dma_start3A_516 = arith.constant 0 : i32
        %dma_start3A_517 = tpu.memref_slice %arg3[%add3A_498, %dma_start3A_516] : memref<4096x200xi32, #tpu.memory_space<hbm>> -> memref<1x200xi32, #tpu.memory_space<hbm>>
        %dma_start3A_518 = tpu.memref_squeeze %dma_start3A_517 : memref<1x200xi32, #tpu.memory_space<hbm>> -> memref<200xi32, #tpu.memory_space<hbm>>
        %dma_start3A_519 = arith.constant 0 : i32
        %dma_start3A_520 = tpu.memref_slice %arg11[%dma_start3A_512, %dma_start3A_519] : memref<2x200xi32, #tpu.memory_space<vmem>> -> memref<1x200xi32, #tpu.memory_space<vmem>>
        %dma_start3A_521 = tpu.memref_squeeze %dma_start3A_520 : memref<1x200xi32, #tpu.memory_space<vmem>> -> memref<200xi32, #tpu.memory_space<vmem>>
        %dma_start3A_522 = arith.constant 0 : i32
        %dma_start3A_523 = tpu.memref_slice %arg3[%add3A_498, %dma_start3A_522] : memref<4096x200xi32, #tpu.memory_space<hbm>> -> memref<1x200xi32, #tpu.memory_space<hbm>>
        %dma_start3A_524 = tpu.memref_squeeze %dma_start3A_523 : memref<1x200xi32, #tpu.memory_space<hbm>> -> memref<200xi32, #tpu.memory_space<hbm>>
        tpu.enqueue_dma source(%dma_start3A_524 : memref<200xi32, #tpu.memory_space<hbm>>) target(%dma_start3A_521 : memref<200xi32, #tpu.memory_space<vmem>>) target_semaphore(%arg19 : memref<!tpu.dma_semaphore, #tpu.memory_space<semaphore_mem>>)
      } else {
      }
      %ge3A_467 = arith.constant 1 : i32
      %ge3A_468 = arith.cmpi sge, %scan3A_218, %ge3A_467 : i32
      %convert_element_type3A_469 = arith.extui %ge3A_468 : i1 to i32
      %cond3A_470 = arith.constant 0 : i32
      %cond3A_471 = arith.cmpi ne, %convert_element_type3A_469, %cond3A_470 : i32
      scf.if %cond3A_471 {
        %dma_wait3A_496 = arith.constant 1 : i32
        %dma_wait3A_497 = arith.constant 0 : i32
        %dma_wait3A_498 = arith.constant 0 : i32
        %dma_wait3A_499 = arith.constant 0 : i32
        %dma_wait3A_500 = tpu.memref_slice %arg15[%dma_wait3A_496, %dma_wait3A_498, %dma_wait3A_499] : memref<2x200x64xf32, #tpu.memory_space<vmem>> -> memref<1x200x64xf32, #tpu.memory_space<vmem>>
        %dma_wait3A_501 = tpu.memref_squeeze %dma_wait3A_500 : memref<1x200x64xf32, #tpu.memory_space<vmem>> -> memref<200x64xf32, #tpu.memory_space<vmem>>
        %dma_wait3A_502 = arith.constant 0 : i32
        %dma_wait3A_503 = arith.constant 0 : i32
        %dma_wait3A_504 = tpu.memref_slice %arg9[%dma_wait3A_497, %dma_wait3A_502, %dma_wait3A_503] : memref<4096x200x64xf32, #tpu.memory_space<hbm>> -> memref<1x200x64xf32, #tpu.memory_space<hbm>>
        %dma_wait3A_505 = tpu.memref_squeeze %dma_wait3A_504 : memref<1x200x64xf32, #tpu.memory_space<hbm>> -> memref<200x64xf32, #tpu.memory_space<hbm>>
        %dma_wait3A_506 = arith.constant 0 : i32
        %dma_wait3A_507 = arith.constant 0 : i32
        %dma_wait3A_508 = tpu.memref_slice %arg9[%dma_wait3A_497, %dma_wait3A_506, %dma_wait3A_507] : memref<4096x200x64xf32, #tpu.memory_space<hbm>> -> memref<1x200x64xf32, #tpu.memory_space<hbm>>
        %dma_wait3A_509 = tpu.memref_squeeze %dma_wait3A_508 : memref<1x200x64xf32, #tpu.memory_space<hbm>> -> memref<200x64xf32, #tpu.memory_space<hbm>>
        %dma_wait3A_510 = arith.constant 0 : i32
        %dma_wait3A_511 = arith.constant 0 : i32
        %dma_wait3A_512 = tpu.memref_slice %arg15[%dma_wait3A_496, %dma_wait3A_510, %dma_wait3A_511] : memref<2x200x64xf32, #tpu.memory_space<vmem>> -> memref<1x200x64xf32, #tpu.memory_space<vmem>>
        %dma_wait3A_513 = tpu.memref_squeeze %dma_wait3A_512 : memref<1x200x64xf32, #tpu.memory_space<vmem>> -> memref<200x64xf32, #tpu.memory_space<vmem>>
        tpu.wait_dma2 semaphore(%arg23 : memref<!tpu.dma_semaphore, #tpu.memory_space<semaphore_mem>>) src(%dma_wait3A_513 : memref<200x64xf32, #tpu.memory_space<vmem>>) dst(%dma_wait3A_509 : memref<200x64xf32, #tpu.memory_space<hbm>>)
      } else {
      }
      %add3A_472 = arith.addi %mul3A_25, %add3A_394 : i32
      %scan3A_473 = arith.constant 0 : i32
      %scan3A_474 = arith.constant 0 : i32
      %scan3A_475 = arith.constant 200 : i32
      %scan3A_476 = arith.addi %scan3A_474, %scan3A_475 : i32
      %scan3A_477 = arith.constant 1 : i32
      scf.for %scan3A_496 = %scan3A_474 to %scan3A_476 step %scan3A_477  : i32 {
        %get3A_497 = arith.constant 1 : i32
        %get3A_498 = arith.index_cast %get3A_497 : i32 to index
        %get3A_499 = arith.index_cast %scan3A_496 : i32 to index
        %get3A_500 = arith.constant 0 : index
        %get3A_501 = tpu.vector_load %arg12[%get3A_498, %get3A_499, %get3A_500] {strides = array<i32>} : memref<2x200x64xf32, #tpu.memory_space<vmem>>, vector<1x1x16xf32>,
        %get3A_502 = vector.shape_cast %get3A_501 : vector<1x1x16xf32> to vector<16xf32>
        %get3A_503 = arith.constant 1 : i32
        %get3A_504 = arith.index_cast %get3A_503 : i32 to index
        %get3A_505 = arith.index_cast %scan3A_496 : i32 to index
        %get3A_506 = arith.constant 0 : index
        %get3A_507 = tpu.vector_load %arg13[%get3A_504, %get3A_505, %get3A_506] {strides = array<i32>} : memref<2x200x64xf32, #tpu.memory_space<vmem>>, vector<1x1x16xf32>,
        %get3A_508 = vector.shape_cast %get3A_507 : vector<1x1x16xf32> to vector<16xf32>
        %add3A_509 = arith.addf %get3A_502, %get3A_508 : vector<16xf32>
        %get3A_510 = arith.index_cast %scan3A_496 : i32 to index
        %get3A_511 = arith.constant 0 : index
        %get3A_512 = tpu.vector_load %arg14[%get3A_510, %get3A_511] {strides = array<i32>} : memref<200x64xf32, #tpu.memory_space<vmem>>, vector<1x16xf32>,
        %get3A_513 = vector.shape_cast %get3A_512 : vector<1x16xf32> to vector<16xf32>
        %add3A_514 = arith.addf %add3A_509, %get3A_513 : vector<16xf32>
        %get3A_515 = arith.constant 1 : i32
        %get3A_516 = arith.index_cast %get3A_515 : i32 to index
        %get3A_517 = arith.index_cast %scan3A_496 : i32 to index
        %get3A_518 = arith.constant 16 : index
        %get3A_519 = tpu.vector_load %arg12[%get3A_516, %get3A_517, %get3A_518] {strides = array<i32>} : memref<2x200x64xf32, #tpu.memory_space<vmem>>, vector<1x1x16xf32>,
        %get3A_520 = vector.shape_cast %get3A_519 : vector<1x1x16xf32> to vector<16xf32>
        %get3A_521 = arith.constant 1 : i32
        %get3A_522 = arith.index_cast %get3A_521 : i32 to index
        %get3A_523 = arith.index_cast %scan3A_496 : i32 to index
        %get3A_524 = arith.constant 16 : index
        %get3A_525 = tpu.vector_load %arg13[%get3A_522, %get3A_523, %get3A_524] {strides = array<i32>} : memref<2x200x64xf32, #tpu.memory_space<vmem>>, vector<1x1x16xf32>,
        %get3A_526 = vector.shape_cast %get3A_525 : vector<1x1x16xf32> to vector<16xf32>
        %add3A_527 = arith.addf %get3A_520, %get3A_526 : vector<16xf32>
        %get3A_528 = arith.index_cast %scan3A_496 : i32 to index
        %get3A_529 = arith.constant 16 : index
        %get3A_530 = tpu.vector_load %arg14[%get3A_528, %get3A_529] {strides = array<i32>} : memref<200x64xf32, #tpu.memory_space<vmem>>, vector<1x16xf32>,
        %get3A_531 = vector.shape_cast %get3A_530 : vector<1x16xf32> to vector<16xf32>
        %add3A_532 = arith.addf %add3A_527, %get3A_531 : vector<16xf32>
        %get3A_533 = arith.constant 1 : i32
        %get3A_534 = arith.index_cast %get3A_533 : i32 to index
        %get3A_535 = arith.index_cast %scan3A_496 : i32 to index
        %get3A_536 = arith.constant 32 : index
        %get3A_537 = tpu.vector_load %arg12[%get3A_534, %get3A_535, %get3A_536] {strides = array<i32>} : memref<2x200x64xf32, #tpu.memory_space<vmem>>, vector<1x1x16xf32>,
        %get3A_538 = vector.shape_cast %get3A_537 : vector<1x1x16xf32> to vector<16xf32>
        %get3A_539 = arith.constant 1 : i32
        %get3A_540 = arith.index_cast %get3A_539 : i32 to index
        %get3A_541 = arith.index_cast %scan3A_496 : i32 to index
        %get3A_542 = arith.constant 32 : index
        %get3A_543 = tpu.vector_load %arg13[%get3A_540, %get3A_541, %get3A_542] {strides = array<i32>} : memref<2x200x64xf32, #tpu.memory_space<vmem>>, vector<1x1x16xf32>,
        %get3A_544 = vector.shape_cast %get3A_543 : vector<1x1x16xf32> to vector<16xf32>
        %add3A_545 = arith.addf %get3A_538, %get3A_544 : vector<16xf32>
        %get3A_546 = arith.index_cast %scan3A_496 : i32 to index
        %get3A_547 = arith.constant 32 : index
        %get3A_548 = tpu.vector_load %arg14[%get3A_546, %get3A_547] {strides = array<i32>} : memref<200x64xf32, #tpu.memory_space<vmem>>, vector<1x16xf32>,
        %get3A_549 = vector.shape_cast %get3A_548 : vector<1x16xf32> to vector<16xf32>
        %add3A_550 = arith.addf %add3A_545, %get3A_549 : vector<16xf32>
        %get3A_551 = arith.constant 1 : i32
        %get3A_552 = arith.index_cast %get3A_551 : i32 to index
        %get3A_553 = arith.index_cast %scan3A_496 : i32 to index
        %get3A_554 = arith.constant 48 : index
        %get3A_555 = tpu.vector_load %arg12[%get3A_552, %get3A_553, %get3A_554] {strides = array<i32>} : memref<2x200x64xf32, #tpu.memory_space<vmem>>, vector<1x1x16xf32>,
        %get3A_556 = vector.shape_cast %get3A_555 : vector<1x1x16xf32> to vector<16xf32>
        %get3A_557 = arith.constant 1 : i32
        %get3A_558 = arith.index_cast %get3A_557 : i32 to index
        %get3A_559 = arith.index_cast %scan3A_496 : i32 to index
        %get3A_560 = arith.constant 48 : index
        %get3A_561 = tpu.vector_load %arg13[%get3A_558, %get3A_559, %get3A_560] {strides = array<i32>} : memref<2x200x64xf32, #tpu.memory_space<vmem>>, vector<1x1x16xf32>,
        %get3A_562 = vector.shape_cast %get3A_561 : vector<1x1x16xf32> to vector<16xf32>
        %add3A_563 = arith.addf %get3A_556, %get3A_562 : vector<16xf32>
        %get3A_564 = arith.index_cast %scan3A_496 : i32 to index
        %get3A_565 = arith.constant 48 : index
        %get3A_566 = tpu.vector_load %arg14[%get3A_564, %get3A_565] {strides = array<i32>} : memref<200x64xf32, #tpu.memory_space<vmem>>, vector<1x16xf32>,
        %get3A_567 = vector.shape_cast %get3A_566 : vector<1x16xf32> to vector<16xf32>
        %add3A_568 = arith.addf %add3A_563, %get3A_567 : vector<16xf32>
        %add3A_569 = arith.addf %add3A_514, %add3A_532 : vector<16xf32>
        %add3A_570 = arith.addf %add3A_550, %add3A_568 : vector<16xf32>
        %add3A_571 = arith.addf %add3A_569, %add3A_570 : vector<16xf32>
        %mul3A_572 = arith.mulf %add3A_514, %add3A_514 : vector<16xf32>
        %mul3A_573 = arith.mulf %add3A_532, %add3A_532 : vector<16xf32>
        %add3A_574 = arith.addf %mul3A_572, %mul3A_573 : vector<16xf32>
        %mul3A_575 = arith.mulf %add3A_550, %add3A_550 : vector<16xf32>
        %mul3A_576 = arith.mulf %add3A_568, %add3A_568 : vector<16xf32>
        %add3A_577 = arith.addf %mul3A_575, %mul3A_576 : vector<16xf32>
        %add3A_578 = arith.addf %add3A_574, %add3A_577 : vector<16xf32>
        %broadcast_in_dim3A = vector.shape_cast %and3A_30 : vector<16xi32> to vector<16x1xi32>
        %gather3A = vector.shape_cast %broadcast_in_dim3A : vector<16x1xi32> to vector<16xi32>
        %gather3A_579 = tpu.dynamic_gather %add3A_571[%gather3A] in [0] : vector<16xf32>, vector<16xi32> -> vector<16xf32>
        %add3A_580 = arith.addf %add3A_571, %gather3A_579 : vector<16xf32>
        %broadcast_in_dim3A_581 = vector.shape_cast %and3A_36 : vector<16xi32> to vector<16x1xi32>
        %gather3A_582 = vector.shape_cast %broadcast_in_dim3A_581 : vector<16x1xi32> to vector<16xi32>
        %gather3A_583 = tpu.dynamic_gather %add3A_580[%gather3A_582] in [0] : vector<16xf32>, vector<16xi32> -> vector<16xf32>
        %add3A_584 = arith.addf %add3A_580, %gather3A_583 : vector<16xf32>
        %broadcast_in_dim3A_585 = vector.shape_cast %and3A_42 : vector<16xi32> to vector<16x1xi32>
        %gather3A_586 = vector.shape_cast %broadcast_in_dim3A_585 : vector<16x1xi32> to vector<16xi32>
        %gather3A_587 = tpu.dynamic_gather %add3A_584[%gather3A_586] in [0] : vector<16xf32>, vector<16xi32> -> vector<16xf32>
        %add3A_588 = arith.addf %add3A_584, %gather3A_587 : vector<16xf32>
        %broadcast_in_dim3A_589 = vector.shape_cast %and3A_48 : vector<16xi32> to vector<16x1xi32>
        %gather3A_590 = vector.shape_cast %broadcast_in_dim3A_589 : vector<16x1xi32> to vector<16xi32>
        %gather3A_591 = tpu.dynamic_gather %add3A_588[%gather3A_590] in [0] : vector<16xf32>, vector<16xi32> -> vector<16xf32>
        %add3A_592 = arith.addf %add3A_588, %gather3A_591 : vector<16xf32>
        %mul3A_593 = arith.constant 1.562500e-02 : f32
        %mul3A_594 = vector.broadcast %mul3A_593 : f32 to vector<16xf32>
        %mul3A_595 = arith.mulf %add3A_592, %mul3A_594 : vector<16xf32>
        %broadcast_in_dim3A_596 = vector.shape_cast %and3A_30 : vector<16xi32> to vector<16x1xi32>
        %gather3A_597 = vector.shape_cast %broadcast_in_dim3A_596 : vector<16x1xi32> to vector<16xi32>
        %gather3A_598 = tpu.dynamic_gather %add3A_578[%gather3A_597] in [0] : vector<16xf32>, vector<16xi32> -> vector<16xf32>
        %add3A_599 = arith.addf %add3A_578, %gather3A_598 : vector<16xf32>
        %broadcast_in_dim3A_600 = vector.shape_cast %and3A_36 : vector<16xi32> to vector<16x1xi32>
        %gather3A_601 = vector.shape_cast %broadcast_in_dim3A_600 : vector<16x1xi32> to vector<16xi32>
        %gather3A_602 = tpu.dynamic_gather %add3A_599[%gather3A_601] in [0] : vector<16xf32>, vector<16xi32> -> vector<16xf32>
        %add3A_603 = arith.addf %add3A_599, %gather3A_602 : vector<16xf32>
        %broadcast_in_dim3A_604 = vector.shape_cast %and3A_42 : vector<16xi32> to vector<16x1xi32>
        %gather3A_605 = vector.shape_cast %broadcast_in_dim3A_604 : vector<16x1xi32> to vector<16xi32>
        %gather3A_606 = tpu.dynamic_gather %add3A_603[%gather3A_605] in [0] : vector<16xf32>, vector<16xi32> -> vector<16xf32>
        %add3A_607 = arith.addf %add3A_603, %gather3A_606 : vector<16xf32>
        %broadcast_in_dim3A_608 = vector.shape_cast %and3A_48 : vector<16xi32> to vector<16x1xi32>
        %gather3A_609 = vector.shape_cast %broadcast_in_dim3A_608 : vector<16x1xi32> to vector<16xi32>
        %gather3A_610 = tpu.dynamic_gather %add3A_607[%gather3A_609] in [0] : vector<16xf32>, vector<16xi32> -> vector<16xf32>
        %add3A_611 = arith.addf %add3A_607, %gather3A_610 : vector<16xf32>
        %mul3A_612 = arith.constant 1.562500e-02 : f32
        %mul3A_613 = vector.broadcast %mul3A_612 : f32 to vector<16xf32>
        %mul3A_614 = arith.mulf %add3A_611, %mul3A_613 : vector<16xf32>
        %mul3A_615 = arith.mulf %mul3A_595, %mul3A_595 : vector<16xf32>
        %sub3A = arith.subf %mul3A_614, %mul3A_615 : vector<16xf32>
        %add3A_616 = arith.constant 9.99999974E-6 : f32
        %add3A_617 = vector.broadcast %add3A_616 : f32 to vector<16xf32>
        %add3A_618 = arith.addf %sub3A, %add3A_617 : vector<16xf32>
        %bitcast_convert_type3A = tpu.bitcast %add3A_618 : vector<16xf32> -> vector<16xi32>
        %shift_right_arithmetic3A = arith.constant 1 : i32
        %shift_right_arithmetic3A_619 = vector.broadcast %shift_right_arithmetic3A : i32 to vector<16xi32>
        %shift_right_arithmetic3A_620 = arith.shrsi %bitcast_convert_type3A, %shift_right_arithmetic3A_619 : vector<16xi32>
        %sub3A_621 = arith.constant 1597463007 : i32
        %sub3A_622 = vector.broadcast %sub3A_621 : i32 to vector<16xi32>
        %sub3A_623 = arith.subi %sub3A_622, %shift_right_arithmetic3A_620 : vector<16xi32>
        %bitcast_convert_type3A_624 = tpu.bitcast %sub3A_623 : vector<16xi32> -> vector<16xf32>
        %mul3A_625 = arith.constant 5.000000e-01 : f32
        %mul3A_626 = vector.broadcast %mul3A_625 : f32 to vector<16xf32>
        %mul3A_627 = arith.mulf %mul3A_626, %add3A_618 : vector<16xf32>
        %mul3A_628 = arith.mulf %mul3A_627, %bitcast_convert_type3A_624 : vector<16xf32>
        %mul3A_629 = arith.mulf %mul3A_628, %bitcast_convert_type3A_624 : vector<16xf32>
        %sub3A_630 = arith.constant 1.500000e+00 : f32
        %sub3A_631 = vector.broadcast %sub3A_630 : f32 to vector<16xf32>
        %sub3A_632 = arith.subf %sub3A_631, %mul3A_629 : vector<16xf32>
        %mul3A_633 = arith.mulf %bitcast_convert_type3A_624, %sub3A_632 : vector<16xf32>
        %mul3A_634 = arith.constant 5.000000e-01 : f32
        %mul3A_635 = vector.broadcast %mul3A_634 : f32 to vector<16xf32>
        %mul3A_636 = arith.mulf %mul3A_635, %add3A_618 : vector<16xf32>
        %mul3A_637 = arith.mulf %mul3A_636, %mul3A_633 : vector<16xf32>
        %mul3A_638 = arith.mulf %mul3A_637, %mul3A_633 : vector<16xf32>
        %sub3A_639 = arith.constant 1.500000e+00 : f32
        %sub3A_640 = vector.broadcast %sub3A_639 : f32 to vector<16xf32>
        %sub3A_641 = arith.subf %sub3A_640, %mul3A_638 : vector<16xf32>
        %mul3A_642 = arith.mulf %mul3A_633, %sub3A_641 : vector<16xf32>
        %mul3A_643 = arith.constant 5.000000e-01 : f32
        %mul3A_644 = vector.broadcast %mul3A_643 : f32 to vector<16xf32>
        %mul3A_645 = arith.mulf %mul3A_644, %add3A_618 : vector<16xf32>
        %mul3A_646 = arith.mulf %mul3A_645, %mul3A_642 : vector<16xf32>
        %mul3A_647 = arith.mulf %mul3A_646, %mul3A_642 : vector<16xf32>
        %sub3A_648 = arith.constant 1.500000e+00 : f32
        %sub3A_649 = vector.broadcast %sub3A_648 : f32 to vector<16xf32>
        %sub3A_650 = arith.subf %sub3A_649, %mul3A_647 : vector<16xf32>
        %mul3A_651 = arith.mulf %mul3A_642, %sub3A_650 : vector<16xf32>
        %sub3A_652 = arith.subf %add3A_514, %mul3A_595 : vector<16xf32>
        %mul3A_653 = arith.mulf %sub3A_652, %mul3A_651 : vector<16xf32>
        %mul3A_654 = arith.mulf %mul3A_653, %get3A_2 : vector<16xf32>
        %add3A_655 = arith.addf %mul3A_654, %get3A_14 : vector<16xf32>
        %swap3A = arith.constant 1 : i32
        %swap3A_656 = arith.index_cast %swap3A : i32 to index
        %swap3A_657 = arith.index_cast %scan3A_496 : i32 to index
        %swap3A_658 = arith.constant 0 : index
        %swap3A_659 = tpu.vector_load %arg15[%swap3A_656, %swap3A_657, %swap3A_658] {strides = array<i32>} : memref<2x200x64xf32, #tpu.memory_space<vmem>>, vector<1x1x16xf32>,
        %swap3A_660 = vector.shape_cast %swap3A_659 : vector<1x1x16xf32> to vector<16xf32>
        %swap3A_661 = vector.shape_cast %add3A_655 : vector<16xf32> to vector<1x1x16xf32>
        tpu.vector_store %arg15[%swap3A_656, %swap3A_657, %swap3A_658], %swap3A_661 {strides = array<i32>} : memref<2x200x64xf32, #tpu.memory_space<vmem>>, vector<1x1x16xf32>,
        %sub3A_662 = arith.subf %add3A_532, %mul3A_595 : vector<16xf32>
        %mul3A_663 = arith.mulf %sub3A_662, %mul3A_651 : vector<16xf32>
        %mul3A_664 = arith.mulf %mul3A_663, %get3A_5 : vector<16xf32>
        %add3A_665 = arith.addf %mul3A_664, %get3A_17 : vector<16xf32>
        %swap3A_666 = arith.constant 1 : i32
        %swap3A_667 = arith.index_cast %swap3A_666 : i32 to index
        %swap3A_668 = arith.index_cast %scan3A_496 : i32 to index
        %swap3A_669 = arith.constant 16 : index
        %swap3A_670 = tpu.vector_load %arg15[%swap3A_667, %swap3A_668, %swap3A_669] {strides = array<i32>} : memref<2x200x64xf32, #tpu.memory_space<vmem>>, vector<1x1x16xf32>,
        %swap3A_671 = vector.shape_cast %swap3A_670 : vector<1x1x16xf32> to vector<16xf32>
        %swap3A_672 = vector.shape_cast %add3A_665 : vector<16xf32> to vector<1x1x16xf32>
        tpu.vector_store %arg15[%swap3A_667, %swap3A_668, %swap3A_669], %swap3A_672 {strides = array<i32>} : memref<2x200x64xf32, #tpu.memory_space<vmem>>, vector<1x1x16xf32>,
        %sub3A_673 = arith.subf %add3A_550, %mul3A_595 : vector<16xf32>
        %mul3A_674 = arith.mulf %sub3A_673, %mul3A_651 : vector<16xf32>
        %mul3A_675 = arith.mulf %mul3A_674, %get3A_8 : vector<16xf32>
        %add3A_676 = arith.addf %mul3A_675, %get3A_20 : vector<16xf32>
        %swap3A_677 = arith.constant 1 : i32
        %swap3A_678 = arith.index_cast %swap3A_677 : i32 to index
        %swap3A_679 = arith.index_cast %scan3A_496 : i32 to index
        %swap3A_680 = arith.constant 32 : index
        %swap3A_681 = tpu.vector_load %arg15[%swap3A_678, %swap3A_679, %swap3A_680] {strides = array<i32>} : memref<2x200x64xf32, #tpu.memory_space<vmem>>, vector<1x1x16xf32>,
        %swap3A_682 = vector.shape_cast %swap3A_681 : vector<1x1x16xf32> to vector<16xf32>
        %swap3A_683 = vector.shape_cast %add3A_676 : vector<16xf32> to vector<1x1x16xf32>
        tpu.vector_store %arg15[%swap3A_678, %swap3A_679, %swap3A_680], %swap3A_683 {strides = array<i32>} : memref<2x200x64xf32, #tpu.memory_space<vmem>>, vector<1x1x16xf32>,
        %sub3A_684 = arith.subf %add3A_568, %mul3A_595 : vector<16xf32>
        %mul3A_685 = arith.mulf %sub3A_684, %mul3A_651 : vector<16xf32>
        %mul3A_686 = arith.mulf %mul3A_685, %get3A_11 : vector<16xf32>
        %add3A_687 = arith.addf %mul3A_686, %get3A_23 : vector<16xf32>
        %swap3A_688 = arith.constant 1 : i32
        %swap3A_689 = arith.index_cast %swap3A_688 : i32 to index
        %swap3A_690 = arith.index_cast %scan3A_496 : i32 to index
        %swap3A_691 = arith.constant 48 : index
        %swap3A_692 = tpu.vector_load %arg15[%swap3A_689, %swap3A_690, %swap3A_691] {strides = array<i32>} : memref<2x200x64xf32, #tpu.memory_space<vmem>>, vector<1x1x16xf32>,
        %swap3A_693 = vector.shape_cast %swap3A_692 : vector<1x1x16xf32> to vector<16xf32>
        %swap3A_694 = vector.shape_cast %add3A_687 : vector<16xf32> to vector<1x1x16xf32>
        tpu.vector_store %arg15[%swap3A_689, %swap3A_690, %swap3A_691], %swap3A_694 {strides = array<i32>} : memref<2x200x64xf32, #tpu.memory_space<vmem>>, vector<1x1x16xf32>,
      }
      %scan3A_478 = arith.constant 200 : i32
      %dma_start3A_479 = arith.constant 1 : i32
      %dma_start3A_480 = arith.constant 0 : i32
      %dma_start3A_481 = arith.constant 0 : i32
      %dma_start3A_482 = tpu.memref_slice %arg15[%dma_start3A_479, %dma_start3A_480, %dma_start3A_481] : memref<2x200x64xf32, #tpu.memory_space<vmem>> -> memref<1x200x64xf32, #tpu.memory_space<vmem>>
      %dma_start3A_483 = tpu.memref_squeeze %dma_start3A_482 : memref<1x200x64xf32, #tpu.memory_space<vmem>> -> memref<200x64xf32, #tpu.memory_space<vmem>>
      %dma_start3A_484 = arith.constant 0 : i32
      %dma_start3A_485 = arith.constant 0 : i32
      %dma_start3A_486 = tpu.memref_slice %arg9[%add3A_472, %dma_start3A_484, %dma_start3A_485] : memref<4096x200x64xf32, #tpu.memory_space<hbm>> -> memref<1x200x64xf32, #tpu.memory_space<hbm>>
      %dma_start3A_487 = tpu.memref_squeeze %dma_start3A_486 : memref<1x200x64xf32, #tpu.memory_space<hbm>> -> memref<200x64xf32, #tpu.memory_space<hbm>>
      %dma_start3A_488 = arith.constant 0 : i32
      %dma_start3A_489 = arith.constant 0 : i32
      %dma_start3A_490 = tpu.memref_slice %arg9[%add3A_472, %dma_start3A_488, %dma_start3A_489] : memref<4096x200x64xf32, #tpu.memory_space<hbm>> -> memref<1x200x64xf32, #tpu.memory_space<hbm>>
      %dma_start3A_491 = tpu.memref_squeeze %dma_start3A_490 : memref<1x200x64xf32, #tpu.memory_space<hbm>> -> memref<200x64xf32, #tpu.memory_space<hbm>>
      %dma_start3A_492 = arith.constant 0 : i32
      %dma_start3A_493 = arith.constant 0 : i32
      %dma_start3A_494 = tpu.memref_slice %arg15[%dma_start3A_479, %dma_start3A_492, %dma_start3A_493] : memref<2x200x64xf32, #tpu.memory_space<vmem>> -> memref<1x200x64xf32, #tpu.memory_space<vmem>>
      %dma_start3A_495 = tpu.memref_squeeze %dma_start3A_494 : memref<1x200x64xf32, #tpu.memory_space<vmem>> -> memref<200x64xf32, #tpu.memory_space<vmem>>
      tpu.enqueue_dma source(%dma_start3A_495 : memref<200x64xf32, #tpu.memory_space<vmem>>) target(%dma_start3A_491 : memref<200x64xf32, #tpu.memory_space<hbm>>) target_semaphore(%arg23 : memref<!tpu.dma_semaphore, #tpu.memory_space<semaphore_mem>>)
    }
    %scan3A_181 = arith.constant 64 : i32
    %dma_wait3A_182 = arith.constant 0 : i32
    %dma_wait3A_183 = arith.constant 0 : i32
    %dma_wait3A_184 = arith.constant 0 : i32
    %dma_wait3A_185 = arith.constant 0 : i32
    %dma_wait3A_186 = tpu.memref_slice %arg15[%dma_wait3A_182, %dma_wait3A_184, %dma_wait3A_185] : memref<2x200x64xf32, #tpu.memory_space<vmem>> -> memref<1x200x64xf32, #tpu.memory_space<vmem>>
    %dma_wait3A_187 = tpu.memref_squeeze %dma_wait3A_186 : memref<1x200x64xf32, #tpu.memory_space<vmem>> -> memref<200x64xf32, #tpu.memory_space<vmem>>
    %dma_wait3A_188 = arith.constant 0 : i32
    %dma_wait3A_189 = arith.constant 0 : i32
    %dma_wait3A_190 = tpu.memref_slice %arg9[%dma_wait3A_183, %dma_wait3A_188, %dma_wait3A_189] : memref<4096x200x64xf32, #tpu.memory_space<hbm>> -> memref<1x200x64xf32, #tpu.memory_space<hbm>>
    %dma_wait3A_191 = tpu.memref_squeeze %dma_wait3A_190 : memref<1x200x64xf32, #tpu.memory_space<hbm>> -> memref<200x64xf32, #tpu.memory_space<hbm>>
    %dma_wait3A_192 = arith.constant 0 : i32
    %dma_wait3A_193 = arith.constant 0 : i32
    %dma_wait3A_194 = tpu.memref_slice %arg9[%dma_wait3A_183, %dma_wait3A_192, %dma_wait3A_193] : memref<4096x200x64xf32, #tpu.memory_space<hbm>> -> memref<1x200x64xf32, #tpu.memory_space<hbm>>
    %dma_wait3A_195 = tpu.memref_squeeze %dma_wait3A_194 : memref<1x200x64xf32, #tpu.memory_space<hbm>> -> memref<200x64xf32, #tpu.memory_space<hbm>>
    %dma_wait3A_196 = arith.constant 0 : i32
    %dma_wait3A_197 = arith.constant 0 : i32
    %dma_wait3A_198 = tpu.memref_slice %arg15[%dma_wait3A_182, %dma_wait3A_196, %dma_wait3A_197] : memref<2x200x64xf32, #tpu.memory_space<vmem>> -> memref<1x200x64xf32, #tpu.memory_space<vmem>>
    %dma_wait3A_199 = tpu.memref_squeeze %dma_wait3A_198 : memref<1x200x64xf32, #tpu.memory_space<vmem>> -> memref<200x64xf32, #tpu.memory_space<vmem>>
    tpu.wait_dma2 semaphore(%arg22 : memref<!tpu.dma_semaphore, #tpu.memory_space<semaphore_mem>>) src(%dma_wait3A_199 : memref<200x64xf32, #tpu.memory_space<vmem>>) dst(%dma_wait3A_195 : memref<200x64xf32, #tpu.memory_space<hbm>>)
    %dma_wait3A_200 = arith.constant 1 : i32
    %dma_wait3A_201 = arith.constant 0 : i32
    %dma_wait3A_202 = arith.constant 0 : i32
    %dma_wait3A_203 = arith.constant 0 : i32
    %dma_wait3A_204 = tpu.memref_slice %arg15[%dma_wait3A_200, %dma_wait3A_202, %dma_wait3A_203] : memref<2x200x64xf32, #tpu.memory_space<vmem>> -> memref<1x200x64xf32, #tpu.memory_space<vmem>>
    %dma_wait3A_205 = tpu.memref_squeeze %dma_wait3A_204 : memref<1x200x64xf32, #tpu.memory_space<vmem>> -> memref<200x64xf32, #tpu.memory_space<vmem>>
    %dma_wait3A_206 = arith.constant 0 : i32
    %dma_wait3A_207 = arith.constant 0 : i32
    %dma_wait3A_208 = tpu.memref_slice %arg9[%dma_wait3A_201, %dma_wait3A_206, %dma_wait3A_207] : memref<4096x200x64xf32, #tpu.memory_space<hbm>> -> memref<1x200x64xf32, #tpu.memory_space<hbm>>
    %dma_wait3A_209 = tpu.memref_squeeze %dma_wait3A_208 : memref<1x200x64xf32, #tpu.memory_space<hbm>> -> memref<200x64xf32, #tpu.memory_space<hbm>>
    %dma_wait3A_210 = arith.constant 0 : i32
    %dma_wait3A_211 = arith.constant 0 : i32
    %dma_wait3A_212 = tpu.memref_slice %arg9[%dma_wait3A_201, %dma_wait3A_210, %dma_wait3A_211] : memref<4096x200x64xf32, #tpu.memory_space<hbm>> -> memref<1x200x64xf32, #tpu.memory_space<hbm>>
    %dma_wait3A_213 = tpu.memref_squeeze %dma_wait3A_212 : memref<1x200x64xf32, #tpu.memory_space<hbm>> -> memref<200x64xf32, #tpu.memory_space<hbm>>
    %dma_wait3A_214 = arith.constant 0 : i32
    %dma_wait3A_215 = arith.constant 0 : i32
    %dma_wait3A_216 = tpu.memref_slice %arg15[%dma_wait3A_200, %dma_wait3A_214, %dma_wait3A_215] : memref<2x200x64xf32, #tpu.memory_space<vmem>> -> memref<1x200x64xf32, #tpu.memory_space<vmem>>
    %dma_wait3A_217 = tpu.memref_squeeze %dma_wait3A_216 : memref<1x200x64xf32, #tpu.memory_space<vmem>> -> memref<200x64xf32, #tpu.memory_space<vmem>>
    tpu.wait_dma2 semaphore(%arg23 : memref<!tpu.dma_semaphore, #tpu.memory_space<semaphore_mem>>) src(%dma_wait3A_217 : memref<200x64xf32, #tpu.memory_space<vmem>>) dst(%dma_wait3A_213 : memref<200x64xf32, #tpu.memory_space<hbm>>)
    return
  }
}

</mosaic_0001>

<sc_bundles>
// kernel: kernel.3.cloned.1.call-start
scs
__scs_entry_jumppad:
0x0: {  	(pc) =	sbr.rel $0x88, $3  }
0x1: {  	(tag) =	ssettag $0x0;
	lr =	simm.s32 $0x1  }
0x2: {  	[smem:$0x3F9B] =	sst lr;
	_ =	strace $0xD0000000  }
0x3: {  	_ = 	snop  }
0x4: {  	_ = 	snop  }
0x5: {  	_ = 	snop  }
0x6: {  	_ = 	snop  }
0x7: {  	_ = 	snop  }
__scs_overlays_trampoline_lowered:
0x8: {  	[smem:$0x3FAA] =	sst s0  }
0x9: {  	[smem:$0x3FAB] =	sst s1  }
0xa: {  	[smem:$0x3FAC] =	sst s2  }
0xb: {  	[smem:$0x3FAD] =	sst s3  }
0xc: {  	[smem:$0x3FAE] =	sst s4  }
0xd: {  	[smem:$0x3FAF] =	sst s5  }
0xe: {  	[smem:$0x3FB0] =	sst s6  }
0xf: {  	[smem:$0x3FB1] =	sst s7  }
0x10: {  	[smem:$0x3FB2] =	sst s8  }
0x11: {  	[smem:$0x3FB3] =	sst s9;
	s0 =	simm.s32 @!p0 $0x0  }
0x12: {  	s1 =	sld [smem:$0x3F99];
	s0 =	simm.s32 @p0 $0x1  }
0x13: {  	[smem:$0x3FB4] =	sst s0;
	s0 =	simm.s32 @!p1 $0x0  }
0x14: {  	s2 =	sld [smem:$0x3F98];
	s0 =	simm.s32 @p1 $0x1  }
0x15: {  	[smem:$0x3FB5] =	sst s0;
	s0 =	simm.s32 @!p2 $0x0  }
0x16: {  	s3 =	sld [smem:$0x3FDB];
	s0 =	simm.s32 @p2 $0x1  }
0x17: {  	s4 =	simm.s32 $0x1BF5;
	[smem:$0x3FB7] =	sst s0  }
0x18: {  	s0 =	sld [smem:$0x3F9A];
	_ =	swait.ge [sflag:s4], $0x0  }
0x19: {  	s7 =	sld [smem:$0x3F9B]  }
0x1a: {  	s8 =	sadd.s32 $0xFFFFE003, lr  }
0x1b: {  	s9 =	sadd.s32 $0xFFFFFEF7, lr;
	s5 =	simm.s32 $0xFFFFFFFF;
	p2 =	slt.u32 s8, $0xFFFFF086  }
0x1c: {  	p1 =	slt.u32 s9, $0xF7A;
	s5 =	simm.s32 @!p2 $0x0  }
0x1d: {  	s5 =	simm.s32 @p1 $0x1;
	p0 =	seq.s32 s7, s2  }
0x1e: {  	s7 =	smul.u32 @!p0 $0xF7A, s2;
	p2 =	seq.s32 @!p0 s5, $0x0  }
0x1f: {  	s9 =	smul.u32 $0xF7A, s1;
	s8 =	simm.s32 @!p0 $0x1BF5;
	p2 =	por !p2, p0  }
0x20: {  	[sflag:s8] =	ssyncset.s32 @!p0 $0xFFFFF086;
	s6 =	sadd.s32 @!p0 s3, s7;
	s7 =	simm.s32 @!p0 $0x108  }
0x21: {  	s3 =	sadd.s32 s3, s9;
	s6 =	sadd.s32 @!p0 $0x88, s6;
	s7 =	simm.s32 @p2 $0x1082  }
0x22: {  	[simem:s7], [sflag:s8] =	dma.local @!p0 [hbm:s6], $0xF7A  }
0x23: {  	s9 =	sor.u32 $0xD0000000, s2;
	s6 =	simm.s32 $0x108;
	_ =	swait.ge @!p0 [sflag:s8], $0x0  }
0x24: {  	s3 =	sadd.s32 $0x88, s3;
	s6 =	simm.s32 @!p1 $0x1082;
	[sflag:s4] =	ssyncset.s32 $0xFFFFF086  }
0x25: {  	[simem:s6], [sflag:s4] =	dma.local [hbm:s3], $0xF7A  }
0x26: {  	[smem:$0x3F9B] =	sst s1;
	(tag) =	ssettag s2;
	_ =	strace s9  }
0x27: {  	s1 =	sld [smem:$0x3FAB]  }
0x28: {  	s2 =	sld [smem:$0x3FAC]  }
0x29: {  	s4 =	sld [smem:$0x3FAE]  }
0x2a: {  	p0 =	seq.s32 s5, $0x0;
	s5 =	sld [smem:$0x3FAF]  }
0x2b: {  	s6 =	sld [smem:$0x3FB0]  }
0x2c: {  	s7 =	sld [smem:$0x3FB1]  }
0x2d: {  	s3 =	simm.s32 $0x108;
	s8 =	sld [smem:$0x3FB2]  }
0x2e: {  	s3 =	simm.s32 @!p0 $0x1082;
	s9 =	sld [smem:$0x3FB3]  }
0x2f: {  	lr =	sadd.s32 s0, s3;
	s0 =	sld [smem:$0x3FAA]  }
0x30: {  	s3 =	sld [smem:$0x3FAD]  }
0x31: {  	[smem:$0x3FB6] =	sst s10  }
0x32: {  	s10 =	sld [smem:$0x3FB4];
	_ =	sdelay $0x3  }
0x33: {  	p0 =	seq.s32 s10, $0x1;
	s10 =	sld [smem:$0x3FB6];
	_ =	sdelay $0x3  }
0x34: {  	[smem:$0x3FB6] =	sst s10  }
0x35: {  	s10 =	sld [smem:$0x3FB5];
	_ =	sdelay $0x3  }
0x36: {  	p1 =	seq.s32 s10, $0x1;
	s10 =	sld [smem:$0x3FB6];
	_ =	sdelay $0x3  }
0x37: {  	[smem:$0x3FB6] =	sst s10  }
0x38: {  	s10 =	sld [smem:$0x3FB7]  }
0x39: {  	_ = 	snop;
	(pc) =	sbr.ind lr, $3  }
0x3a: {  	_ = 	snop  }
0x3b: {  	_ = 	snop  }
0x3c: {  	p2 =	seq.s32 s10, $0x1;
	s10 =	sld [smem:$0x3FB6]  }
0x3d: {  	_ =	shalt  }
0x3e: {  	_ =	shalt  }
0x3f: {  	_ =	shalt  }
0x40: {  	_ =	shalt  }
0x41: {  	_ =	shalt  }
0x42: {  	_ =	shalt  }
0x43: {  	_ =	shalt  }
0x44: {  	_ =	shalt  }
0x45: {  	_ =	shalt  }
0x46: {  	_ =	shalt  }
0x47: {  	_ =	shalt  }
0x48: {  	_ =	shalt  }
0x49: {  	_ =	shalt  }
0x4a: {  	_ =	shalt  }
0x4b: {  	_ =	shalt  }
0x4c: {  	_ =	shalt  }
0x4d: {  	_ =	shalt  }
0x4e: {  	_ =	shalt  }
0x4f: {  	_ =	shalt  }
0x50: {  	_ =	shalt  }
0x51: {  	_ =	shalt  }
0x52: {  	_ =	shalt  }
0x53: {  	_ =	shalt  }
0x54: {  	_ =	shalt  }
0x55: {  	_ =	shalt  }
0x56: {  	_ =	shalt  }
0x57: {  	_ =	shalt  }
0x58: {  	_ =	shalt  }
0x59: {  	_ =	shalt  }
0x5a: {  	_ =	shalt  }
0x5b: {  	_ =	shalt  }
0x5c: {  	_ =	shalt  }
0x5d: {  	_ =	shalt  }
0x5e: {  	_ =	shalt  }
0x5f: {  	_ =	shalt  }
0x60: {  	_ =	shalt  }
0x61: {  	_ =	shalt  }
0x62: {  	_ =	shalt  }
0x63: {  	_ =	shalt  }
0x64: {  	_ =	shalt  }
0x65: {  	_ =	shalt  }
0x66: {  	_ =	shalt  }
0x67: {  	_ =	shalt  }
0x68: {  	_ =	shalt  }
0x69: {  	_ =	shalt  }
0x6a: {  	_ =	shalt  }
0x6b: {  	_ =	shalt  }
0x6c: {  	_ =	shalt  }
0x6d: {  	_ =	shalt  }
0x6e: {  	_ =	shalt  }
0x6f: {  	_ =	shalt  }
0x70: {  	_ =	shalt  }
0x71: {  	_ =	shalt  }
0x72: {  	_ =	shalt  }
0x73: {  	_ =	shalt  }
0x74: {  	_ =	shalt  }
0x75: {  	_ =	shalt  }
0x76: {  	_ =	shalt  }
0x77: {  	_ =	shalt  }
0x78: {  	_ =	shalt  }
0x79: {  	_ =	shalt  }
0x7a: {  	_ =	shalt  }
0x7b: {  	_ =	shalt  }
0x7c: {  	_ =	shalt  }
0x7d: {  	_ =	shalt  }
0x7e: {  	_ =	shalt  }
0x7f: {  	_ =	shalt  }
0x80: {  	_ =	shalt  }
0x81: {  	_ =	shalt  }
0x82: {  	_ =	shalt  }
0x83: {  	_ =	shalt  }
0x84: {  	_ =	shalt  }
0x85: {  	_ =	shalt  }
0x86: {  	_ =	shalt  }
0x87: {  	_ =	shalt  }
.Lfunc_end0:
.L_simem_size_0:
called_computation.1_lowered:
.L_overlay_start_0:
0x88: {  	s2 =	sld [smem:$0x3FD9]  }
0x89: {  	s3 =	sld [smem:$0x3FFE];
	_ =	sdelay $0x1  }
0x8a: {  	s1 =	srdreg.scid  }
0x8b: {  	s0 =	sand.u32 $0x1, s1  }
0x8c: {  	s17 =	sshll.u32 s0, $0xA;
	s2 =	sadd.s32 s3, s2  }
0x8d: {  	s2 =	sadd.s32 s2, s17  }
0x8e: {  	[smem:$0x3FC2] =	sst s2  }
0x8f: {  	_ = 	snop  }
0x90: {  	s2 =	sld [smem:$0x3FC5]  }
0x91: {  	s18 =	sld [smem:$0x3FC4]  }
0x92: {  	s4 =	sld [smem:$0x3FD0];
	(tm) =	ssettm $0x1  }
0x93: {  	s5 =	sld [smem:$0x3FFB];
	_ =	sdelay $0x3  }
0x94: {  	_ =	strace s5  }
0x95: {  	s5 =	sld [smem:$0x3FFC];
	_ =	sdelay $0x3  }
0x96: {  	_ =	strace s5  }
0x97: {  	s5 =	sld [smem:$0x3FFD];
	_ =	sdelay $0x3  }
0x98: {  	_ =	strace s5  }
0x99: {  	_ =	strace $0x8FFFFFFF  }
0x9a: {  	s19 =	sld [smem:$0x3FDB];
	_ =	sdelay $0x1  }
0x9b: {  	s6 =	simm.s32 $_scs_section_size  }
0x9c: {  	s7 =	simm.s32 $_size__tile_overlayer_lowered;
	s8 =	simm.s32 $_tile_overlayer_lowered  }
0x9d: {  	s22 =	simm.s32 $0x1BFF;
	s21 =	sshll.u32 s8, $0x1;
	s5 =	sadd.s32 s6, s19  }
0x9e: {  	s9 =	simm.s32 $0x0;
	s20 =	sshll.u32 s7, $0x1;
	s7 =	sadd.s32 s21, s5  }
0x9f: {  	[timem:s9], [sflag:s22] =	dma.local [hbm:s7], s20  }
0xa0: {  	_ =	swait.ge [sflag:s22], s20  }
0xa1: {  	s6 =	ssub.s32 $0x0, s20;
	[sflag:s22] =	ssyncset.done $0x0  }
0xa2: {  	[sflag:s22] =	ssyncadd.s32 s6;
	_ =	sdelay $0x1  }
0xa3: {  	s23 =	simm.s32 $0x1B8B  }
0xa4: {  	_ =	swait.ge [sflag:s23], $0x1  }
0xa5: {  	[sflag:s23] =	ssyncset.done $0x0  }
0xa6: {  	s25 =	simm.s32 $0x1B8E;
	s24 =	sld [smem:$0x3FFE];
	[sflag:s23] =	ssyncadd.s32 $0xFFFFFFFF  }
0xa7: {  	s26 =	simm.s32 $execute0_lowered;
	[smem:$0x3FD2] =	sst s25  }
0xa8: {  	s7 =	sshll.u32 s26, $0x1;
	_ =	strace $0x80000046;
	[dreg:$0x1] =	wrdreg $0xFFFFFFFF  }
0xa9: {  	s28 =	simm.s32 $_size_execute0_lowered;
	s5 =	sadd.s32 s5, s7;
	[dreg:$0x0] =	wrdreg $0x0  }
0xaa: {  	s7 =	sshll.u32 s28, $0x1;
	[dreg:$0x2] =	wrdreg s5  }
0xab: {  	[dreg:$0x3] =	wrdreg s7  }
0xac: {  	[dreg:$0x4] =	wrdreg $0xC0  }
0xad: {  	_ =	task [dreg:s9], $0x5FFFF  }
0xae: {  	[dreg:$0x1] =	wrdreg $0xFFFFFFFF  }
0xaf: {  	[dreg:$0x0] =	wrdreg $0x60  }
0xb0: {  	[dreg:$0x2] =	wrdreg s24  }
0xb1: {  	[dreg:$0x3] =	wrdreg s2  }
0xb2: {  	[dreg:$0x4] =	wrdreg s18  }
0xb3: {  	[dreg:$0x5] =	wrdreg s4  }
0xb4: {  	[dreg:$0x6] =	wrdreg $0x9  }
0xb5: {  	_ =	task.clear_ibuf [dreg:s9], $0x7FFFF;
	_ =	strace $0x90000046  }
0xb6: {  	s29 =	simm.s32 $0x9;
	_ =	strace $0x80000048  }
0xb7: {  	_ =	swait.ge [sflag:s29], $0x1  }
0xb8: {  	[sflag:s29] =	ssyncadd.s32 $0xFFFFFFFF  }
0xb9: {  	_ =	strace $0x90000048  }
0xba: {  	_ =	sfence  }
0xbb: {  	s30 =	sld [smem:$0x0];
	_ =	sdelay $0x2  }
0xbc: {  	s31 =	sshll.u32 s1, $0xD;
	s1 =	sshrl.u32 s1, $0x2  }
0xbd: {  	s3 =	sand.u32 $0x4000, s31;
	s1 =	sadd.s32 s1, s30  }
0xbe: {  	s0 =	sor.u32 s3, s0;
	s1 =	sshll.u32 s1, $0x11  }
0xbf: {  	s0 =	sor.u32 s1, s0  }
0xc0: {  	s0 =	sadd.s32 $0x8F2B, s0  }
0xc1: {  	[sflag:s0] =	ssyncadd.remote.s32 $0x1  }
0xc2: {  	_ =	sfence.sel $0xFFFF  }
0xc3: {  	[dreg:$0x0] =	wrdreg $0xFFFFFFFF;
	(pc) =	sbr.abs _section_cstart, $3  }
0xc4: {  	[dreg:$0x1] =	wrdreg $0xFFFFFFFF  }
0xc5: {  	_ =	task.clear_ibuf [dreg:s9], $0x2FFFF;
	_ =	strace $0x9FFFFFFF  }
0xc6: {  	(tm) =	ssettm $0x7FFFFFFF  }
0xc7: {  	_ =	shalt  }
tec
execute0_lowered:
.L_overlay_start_1:
0x0: {  	(tag) =	ssettag $0x1  }
0x1: {  	s0 =	rddreg [dreg:$0x0]  }
0x2: {  	s3 =	rddreg [dreg:$0x3];
	s5 =	simm.s32 $0x0;
	s1 =	srdreg.scid  }
0x3: {  	s2 =	stileid.u32;
	s20 =	simm.s32 $0xC8;
	s21 =	simm.s32 $0x258  }
0x4: {  	v0 =	vimm.s32 $0xFEDCBA98;
	s29 =	simm.s32 $0x50;
	s13 =	simm.s32 $0x140;
	s14 =	simm.s32 $0x5320  }
0x5: {  	v1 =	vimm.s32 $0x76543210;
	v2 =	vimm.s32 $0x3210FEDC;
	s15 =	simm.s32 $0x2D0;
	s28 =	simm.s32 $0x3;
	s30 =	simm.s32 $0xFD20  }
0x6: {  	v3 =	vimm.s32 $0xBA987654;
	v4 =	vimm.s32 $0x10FEDCBA;
	s31 =	simm.s32 $0x4;
	s19 =	simm.s32 $0x5;
	[smem:$0x7FF] =	sst s5  }
0x7: {  	v5 =	vimm.s32 $0x98765432;
	v6 =	vimm.s32 $0xFEDCBA9;
	s1 =	sand.u32 $0x1, s1;
	s2 =	sshll.u32 s2, $0x8;
	s6 =	sadd.s32 $0xC2E00, s0  }
0x8: {  	v7 =	vimm.s32 $0x87654321;
	s7 =	sadd.s32 $0xA9E00, s0;
	s9 =	sadd.s32 $0xF43400, s0;
	s10 =	sadd.s32 $0x1000, s0  }
0x9: {  	s0 =	sadd.s32 $0xDBE00, s0;
	v0 =	vunpack.c.l.s4.s8 v0;
	v1 =	vunpack.c.l.s4.s8 v1;
	v2 =	vunpack.c.l.s4.s8 v2;
	s4 =	sshll.u32 s1, $0x7;
	s1 =	ssub.s32 $0x2, s1  }
0xa: {  	v3 =	vunpack.c.l.s4.s8 v3;
	v4 =	vunpack.c.l.s4.s8 v4;
	v5 =	vunpack.c.l.s4.s8 v5;
	_ =	strace $0x80000047;
	s8 =	sor.u32 s4, s2;
	s23 =	sshrl.u32 s1, $0x1  }
0xb: {  	v6 =	vunpack.c.l.s4.s8 v6;
	v7 =	vunpack.c.l.s4.s8 v7;
	[dreg:$0x5] =	wrdreg s0;
	v0 =	vunpack.c.0.s8.s32 v0;
	s2 =	smul.u32 $0x19, s8;
	s0 =	ssub.s32 s1, s23  }
0xc: {  	s16 =	simm.s32 $0x0;
	v2 =	vunpack.c.0.s8.s32 v2;
	v3 =	vunpack.c.0.s8.s32 v3;
	v4 =	vunpack.c.0.s8.s32 v4;
	s4 =	simm.s32 $0x2;
	s0 =	smax.u32 s0, $0x1  }
0xd: {  	v5 =	vunpack.c.0.s8.s32 v5;
	v6 =	vunpack.c.0.s8.s32 v6;
	v7 =	vunpack.c.0.s8.s32 v7;
	s24 =	sadd.s32 s6, s2;
	s25 =	sor.u32 $0x19, s2;
	[dreg:$0xa] =	wrdreg s0  }
0xe: {  	v1 =	vunpack.c.0.s8.s32 v1;
	v2 =	vcombine.low v3, v2;
	s2 =	sadd.s32 s7, s2;
	s0 =	simm.s32 $0x12F20;
	[dreg:$0x6] =	wrdreg s24  }
0xf: {  	v3 =	vcombine.low v5, v4;
	v4 =	vcombine.low v7, v6;
	v0 =	vand.u32 $0xF, v0;
	[dreg:$0x7] =	wrdreg s2;
	s26 =	sadd.s32 s6, s25;
	s1 =	sadd.s32 s7, s25  }
0x10: {  	v0 =	vcombine.low v0, v1;
	s25 =	simm.s32 $0x78;
	s2 =	simm.s32 $0x9920;
	[dreg:$0x8] =	wrdreg s26  }
0x11: {  	v1 =	vand.u32 $0xF, v2;
	v2 =	vand.u32 $0xF, v3;
	v3 =	vand.u32 $0xF, v4;
	[dreg:$0x9] =	wrdreg s1;
	s1 =	simm.s32 $0x3520;
	s26 =	simm.s32 $0xB720  }
.LBB2_1:
0x12: {  	[dreg:$0xb] =	wrdreg s16  }
0x13: {  	s11 =	rddreg [dreg:$0x5];
	s12 =	simm.s32 $0xCB20;
	s17 =	simm.s32 $0x7  }
0x14: {  	[tilespmem:s12], [sflag:$0x7] =	stream.linear.gather [hbm4b:s11+s5], $0x3200, $0x38;
	[tilespmem:$0x161A0] =	vst v63  }
0x15: {  	_ =	swait.ge [sflag:s17], $0x3200  }
0x16: {  	[sflag:s17] =	ssyncset.done $0x0  }
0x17: {  	[sflag:s17] =	ssyncadd.s32 $0xFFFFCE00  }
0x18: {  	s22 =	simm.s32 $0x16120;
	s18 =	rddreg [dreg:$0x1]  }
0x19: {  	[tilespmem:s22], [sflag:$0x7] =	stream.linear.gather [hbm4b:s18+s5], $0x40, $0x38;
	[tilespmem:$0x161A0] =	vst v63  }
0x1a: {  	_ =	swait.ge [sflag:s17], $0x40  }
0x1b: {  	[sflag:s17] =	ssyncset.done $0x0  }
0x1c: {  	[sflag:s17] =	ssyncadd.s32 $0xFFFFFFC0  }
0x1d: {  	s24 =	simm.s32 $0x16160;
	s23 =	rddreg [dreg:$0x2]  }
0x1e: {  	[tilespmem:s24], [sflag:$0x7] =	stream.linear.gather [hbm4b:s23+s5], $0x40, $0x38;
	[tilespmem:$0x161A0] =	vst v63  }
0x1f: {  	_ =	swait.ge [sflag:s17], $0x40  }
0x20: {  	[sflag:s17] =	ssyncset.done $0x0  }
0x21: {  	[sflag:s17] =	ssyncadd.s32 $0xFFFFFFC0  }
0x22: {  	v4 =	vld [tilespmem:$0x16120]  }
0x23: {  	v5 =	vld [tilespmem:$0x16130]  }
0x24: {  	v6 =	vld [tilespmem:$0x16140]  }
0x25: {  	v7 =	vld [tilespmem:$0x16150]  }
0x26: {  	v8 =	vld [tilespmem:$0x16160]  }
0x27: {  	v9 =	vld [tilespmem:$0x16170]  }
0x28: {  	s17 =	rddreg [dreg:$0x6];
	v10 =	vld [tilespmem:$0x16180]  }
0x29: {  	v11 =	vld [tilespmem:$0x16190];
	[tilespmem:s5], [sflag:$0x1] =	stream.linear.gather [hbm4b:s17+s5], $0xC8, $0x38  }
0x2a: {  	s22 =	simm.s32 $0x190;
	s18 =	rddreg [dreg:$0x7]  }
0x2b: {  	[tilespmem:s22], [sflag:$0x1] =	stream.linear.gather [hbm4b:s18+s5], $0xC8, $0x38;
	[tilespmem:$0x161A0] =	vst v63  }
0x2c: {  	s23 =	rddreg [dreg:$0x8]  }
0x2d: {  	[tilespmem:s20], [sflag:$0x2] =	stream.linear.gather [hbm4b:s23+s5], $0xC8, $0x38;
	[tilespmem:$0x161A0] =	vst v63  }
0x2e: {  	s16 =	simm.s32 $0x1;
	s24 =	rddreg [dreg:$0x9]  }
0x2f: {  	[tilespmem:s21], [sflag:$0x2] =	stream.linear.gather [hbm4b:s24+s5], $0xC8, $0x38;
	[tilespmem:$0x161A0] =	vst v63  }
0x30: {  	_ =	swait.ge [sflag:s16], $0xC8  }
0x31: {  	[sflag:s16] =	ssyncset.done $0x0  }
0x32: {  	[sflag:s16] =	ssyncadd.s32 $0xFFFFFF38  }
0x33: {  	_ =	swait.ge [sflag:s16], $0xC8  }
0x34: {  	[sflag:s16] =	ssyncset.done $0x0  }
0x35: {  	s17 =	simm.s32 $0x320;
	[sflag:s16] =	ssyncadd.s32 $0xFFFFFF38  }
0x36: {  	[tilespmem:s17], [sflag:$0x3] =	stream.indirect.gather [hbm4b:s9+s25], $0x40, s5, s25, $0xb8;
	[tilespmem:$0x161A0] =	vst v63  }
0x37: {  	s18 =	simm.s32 $0x6720  }
0x38: {  	[tilespmem:s18], [sflag:$0x3] =	stream.indirect.gather [hbm4b:s10+s25], $0x40, s22, s25, $0xb8;
	[tilespmem:$0x161A0] =	vst v63  }
0x39: {  	s22 =	simm.s32 $0x2120  }
0x3a: {  	[tilespmem:s22], [sflag:$0x3] =	stream.indirect.gather [hbm4b:s9+s29], $0x40, s25, s29, $0xb8;
	[tilespmem:$0x161A0] =	vst v63  }
0x3b: {  	s23 =	simm.s32 $0x208;
	s24 =	simm.s32 $0x8520;
	s16 =	simm.s32 $0x0  }
0x3c: {  	[tilespmem:s24], [sflag:$0x3] =	stream.indirect.gather [hbm4b:s10+s29], $0x40, s23, s29, $0xb8;
	[tilespmem:$0x161A0] =	vst v63  }
.LBB2_2:
0x3d: {  	_ =	swait.ge [sflag:s4], $0xC8  }
0x3e: {  	[sflag:s4] =	ssyncset.done $0x0  }
0x3f: {  	[sflag:s4] =	ssyncadd.s32 $0xFFFFFF38  }
0x40: {  	_ =	swait.ge [sflag:s4], $0xC8  }
0x41: {  	[sflag:s4] =	ssyncset.done $0x0  }
0x42: {  	[sflag:s4] =	ssyncadd.s32 $0xFFFFFF38  }
0x43: {  	[tilespmem:s1], [sflag:$0x4] =	stream.indirect.gather [hbm4b:s9+s25], $0x40, s20, s25, $0xb8;
	[tilespmem:$0x161A0] =	vst v63  }
0x44: {  	_ = 	snop  }
0x45: {  	[tilespmem:s2], [sflag:$0x4] =	stream.indirect.gather [hbm4b:s10+s25], $0x40, s21, s25, $0xb8;
	[tilespmem:$0x161A0] =	vst v63  }
0x46: {  	_ = 	snop  }
0x47: {  	[tilespmem:s14], [sflag:$0x4] =	stream.indirect.gather [hbm4b:s9+s29], $0x40, s13, s29, $0xb8;
	[tilespmem:$0x161A0] =	vst v63  }
0x48: {  	_ = 	snop  }
0x49: {  	[tilespmem:s26], [sflag:$0x4] =	stream.indirect.gather [hbm4b:s10+s29], $0x40, s15, s29, $0xb8;
	[tilespmem:$0x161A0] =	vst v63  }
0x4a: {  	_ =	swait.ge [sflag:s28], $0x1E00  }
0x4b: {  	[sflag:s28] =	ssyncset.done $0x0  }
0x4c: {  	[sflag:s28] =	ssyncadd.s32 $0xFFFFE200  }
0x4d: {  	_ =	swait.ge [sflag:s28], $0x1E00  }
0x4e: {  	[sflag:s28] =	ssyncset.done $0x0  }
0x4f: {  	s17 =	sshll.u32 s16, $0x1;
	p0 =	seq.s32 s16, $0x3F;
	[sflag:s28] =	ssyncadd.s32 $0xFFFFE200  }
0x50: {  	s11 =	sadd.s32 @!p0 s8, s17;
	_ =	swait.ge [sflag:s28], $0x1400  }
0x51: {  	s11 =	smul.u32 @!p0 $0xC8, s11;
	[sflag:s28] =	ssyncset.done $0x0  }
0x52: {  	p1 =	seq.s32 @!p0 s16, $0x0;
	[sflag:s28] =	ssyncadd.s32 $0xFFFFEC00  }
0x53: {  	p1 =	por p0, !p1;
	s11 =	sshrl.u32 @!p0 s11, $0x3;
	_ =	swait.ge [sflag:s28], $0x1400  }
.Ltmp0:
0x54: {  	s11 =	sadd.s32 @!p0 $0x32, s11;
	[sflag:s28] =	ssyncset.done $0x0;
	(pc) =	sbr.rel @!p1 .LBB2_3-.Ltmp0, $4  }
0x55: {  	s22 =	simm.s32 @!p0 $0x0;
	s18 =	sadd.s32 @!p0 s6, s11;
	[sflag:s28] =	ssyncadd.s32 $0xFFFFEC00  }
0x56: {  	[tilespmem:s22], [sflag:$0x1] =	stream.linear.gather @!p0 [hbm4b:s18+s22], $0xC8, $0x38;
	[tilespmem:$0x161A0] =	vst v63  }
0x57: {  	s11 =	sadd.s32 @!p0 s7, s11;
	s18 =	simm.s32 @!p0 $0x190  }
0x58: {  	[tilespmem:s18], [sflag:$0x1] =	stream.linear.gather @!p0 [hbm4b:s11+s22], $0xC8, $0x38;
	[tilespmem:$0x161A0] =	vst v63  }
.Ltmp1:
0x59: {  	(pc) =	sbr.rel .LBB2_5-.Ltmp1, $4  }
0x5a: {  	_ = 	snop  }
0x5b: {  	_ =	swait.ge [sflag:s19], $0x3200  }
0x5c: {  	[sflag:s19] =	ssyncset.done $0x0  }
0x5d: {  	p1 =	por $0x0, $0x0;
	[sflag:s19] =	ssyncadd.s32 $0xFFFFCE00  }
.LBB2_3:
0x5e: {  	p1 =	por @!p0 $0x1, $0x1  }
.LBB2_5:
0x5f: {  	s18 =	simm.s32 $0x0  }
0x60: {  	v12 =	vld [tilespmem:s18+$0xCB40]  }
0x61: {  	v13 =	vld [tilespmem:s18+$0xCB50]  }
0x62: {  	v14 =	vld [tilespmem:s18+$0x6720]  }
0x63: {  	v15 =	vld [tilespmem:s18+$0x6730]  }
0x64: {  	v16 =	vld [tilespmem:s18+$0x6740]  }
0x65: {  	v17 =	vld [tilespmem:s18+$0x6750]  }
0x66: {  	v18 =	vld [tilespmem:s18+$0x350]  }
0x67: {  	v19 =	vld [tilespmem:s18+$0x340]  }
0x68: {  	v20 =	vld [tilespmem:s18+$0x330]  }
0x69: {  	v21 =	vld [tilespmem:s18+$0x320]  }
0x6a: {  	v22 =	vld [tilespmem:s18+$0xCB30]  }
0x6b: {  	v23 =	vld [tilespmem:s18+$0xCB20];
	_ =	sdelay $0x1  }
0x6c: {  	v17 =	vadd.f32 v17, v18;
	v16 =	vadd.f32 v16, v19  }
0x6d: {  	v15 =	vadd.f32 v15, v20;
	v18 =	vadd.f32 v14, v21  }
0x6e: {  	v14 =	vadd.f32 v13, v17;
	v16 =	vadd.f32 v12, v16  }
0x6f: {  	v12 =	vadd.f32 v22, v15;
	v15 =	vadd.f32 v23, v18  }
0x70: {  	v13 =	vmul.f32 v14, v14;
	v17 =	vmul.f32 v16, v16  }
0x71: {  	v18 =	vmul.f32 v12, v12;
	v19 =	vmul.f32 v15, v15  }
0x72: {  	v20 =	vadd.f32 v14, v16;
	v21 =	vadd.f32 v12, v15  }
0x73: {  	s22 =	simm.s32 $0x40;
	v13 =	vadd.f32 v13, v17;
	v17 =	vadd.f32 v18, v19  }
0x74: {  	v26 =	vld [tilespmem:s22+$0x350];
	v18 =	vadd.f32 v20, v21  }
0x75: {  	v27 =	vld [tilespmem:s22+$0x340];
	v13 =	vadd.f32 v13, v17  }
0x76: {  	v22 =	vld [tilespmem:s22+$0x6720];
	v20 =	vperm.xlane v18, v0  }
0x77: {  	v23 =	vld [tilespmem:s22+$0x6730];
	v21 =	vperm.xlane v13, v0  }
0x78: {  	v19 =	vld [tilespmem:s22+$0xCB50];
	v18 =	vadd.f32 v18, v20  }
0x79: {  	v20 =	vld [tilespmem:s22+$0x6740];
	v13 =	vadd.f32 v21, v13  }
0x7a: {  	v17 =	vld [tilespmem:s22+$0xCB40];
	v24 =	vperm.xlane v18, v1  }
0x7b: {  	v21 =	vld [tilespmem:s22+$0x6750];
	v25 =	vperm.xlane v13, v1  }
0x7c: {  	v18 =	vadd.f32 v18, v24;
	v24 =	vld [tilespmem:s22+$0x330]  }
0x7d: {  	v13 =	vadd.f32 v25, v13;
	v25 =	vld [tilespmem:s22+$0x320]  }
0x7e: {  	v30 =	vld [tilespmem:s22+$0xCB30];
	v20 =	vadd.f32 v20, v27  }
0x7f: {  	v31 =	vld [tilespmem:s22+$0xCB20];
	v28 =	vperm.xlane v18, v2  }
0x80: {  	v21 =	vadd.f32 v21, v26;
	v17 =	vadd.f32 v17, v20  }
0x81: {  	v29 =	vperm.xlane v13, v2;
	v18 =	vadd.f32 v18, v28;
	v23 =	vadd.f32 v23, v24  }
0x82: {  	v19 =	vadd.f32 v19, v21;
	v22 =	vadd.f32 v22, v25  }
0x83: {  	v13 =	vadd.f32 v29, v13;
	v24 =	vperm.xlane v18, v3;
	v21 =	vadd.f32 v30, v23  }
0x84: {  	v23 =	vmul.f32 v19, v19;
	v25 =	vadd.f32 v19, v17;
	v22 =	vadd.f32 v31, v22  }
0x85: {  	v20 =	vperm.xlane v13, v3;
	v18 =	vadd.f32 v18, v24;
	v24 =	vmul.f32 v17, v17  }
0x86: {  	v26 =	vmul.f32 v21, v21;
	v27 =	vadd.f32 v21, v22;
	v28 =	vmul.f32 v22, v22  }
0x87: {  	v13 =	vadd.f32 v20, v13;
	v18 =	vmul.f32 $1.562500000e-02, v18;
	v20 =	vadd.f32 v23, v24  }
0x88: {  	v23 =	vadd.f32 v25, v27;
	v24 =	vadd.f32 v26, v28  }
0x89: {  	s11 =	simm.s32 $0x80;
	v13 =	vmul.f32 $1.562500000e-02, v13;
	v25 =	vmul.f32 v18, v18  }
0x8a: {  	v33 =	vld [tilespmem:s11+$0x350];
	v26 =	vperm.xlane v23, v0;
	v20 =	vadd.f32 v20, v24  }
0x8b: {  	v35 =	vld [tilespmem:s11+$0x330];
	v13 =	vsub.f32 v13, v25  }
0x8c: {  	v36 =	vld [tilespmem:s11+$0x320];
	v23 =	vadd.f32 v23, v26;
	v25 =	vperm.xlane v20, v0  }
0x8d: {  	v38 =	vld [tilespmem:s11+$0xCB30];
	v13 =	vadd.f32 $9.999999740e-06, v13  }
0x8e: {  	v31 =	vld [tilespmem:s11+$0x6750];
	v28 =	vperm.xlane v23, v1;
	v20 =	vadd.f32 v25, v20  }
0x8f: {  	v27 =	vld [tilespmem:s11+$0x6720];
	v29 =	vshra.s32 v13, $0x1;
	v30 =	vmul.f32 $5.000000000e-01, v13  }
0x90: {  	v25 =	vld [tilespmem:s11+$0x6730];
	v23 =	vadd.f32 v23, v28;
	v28 =	vsub.s32 $0x5F3759DF, v29;
	v29 =	vperm.xlane v20, v1  }
0x91: {  	v13 =	vld [tilespmem:s11+$0x6740];
	v32 =	vmul.f32 v28, v30  }
0x92: {  	v34 =	vperm.xlane v23, v2;
	v20 =	vadd.f32 v29, v20;
	v29 =	vld [tilespmem:s11+$0x340]  }
0x93: {  	v37 =	vsub.f32 v12, v18;
	v24 =	vld [tilespmem:s11+$0xCB40];
	v32 =	vmul.f32 v28, v32  }
0x94: {  	v31 =	vadd.f32 v31, v33;
	v26 =	vld [tilespmem:s11+$0xCB50];
	v23 =	vadd.f32 v23, v34  }
0x95: {  	v47 =	vld [tilespmem:s11+$0xCB20];
	v25 =	vadd.f32 v25, v35;
	v32 =	vsub.f32 $1.500000000e+00, v32  }
0x96: {  	v27 =	vadd.f32 v27, v36;
	v46 =	vperm.xlane v20, v2;
	v12 =	vperm.xlane v23, v3  }
0x97: {  	v25 =	vadd.f32 v38, v25;
	v28 =	vmul.f32 v28, v32;
	v13 =	vadd.f32 v13, v29  }
0x98: {  	v20 =	vadd.f32 v46, v20;
	v23 =	vadd.f32 v23, v12  }
0x99: {  	v12 =	vadd.f32 v26, v31;
	v26 =	vmul.f32 v28, v30;
	v48 =	vadd.f32 v24, v13  }
0x9a: {  	v49 =	vmul.f32 v25, v25;
	v24 =	vperm.xlane v20, v3;
	v13 =	vadd.f32 v47, v27  }
0x9b: {  	v29 =	vmul.f32 v12, v12;
	v26 =	vmul.f32 v26, v28;
	v31 =	vadd.f32 v12, v48  }
0x9c: {  	v27 =	vmul.f32 v48, v48;
	v50 =	vadd.f32 v25, v13;
	v20 =	vadd.f32 v24, v20  }
0x9d: {  	v23 =	vmul.f32 $1.562500000e-02, v23;
	v34 =	vmul.f32 v13, v13;
	v26 =	vsub.f32 $1.500000000e+00, v26  }
0x9e: {  	v24 =	vadd.f32 v29, v27;
	v27 =	vadd.f32 v31, v50;
	v20 =	vmul.f32 $1.562500000e-02, v20  }
0x9f: {  	v29 =	vsub.f32 v16, v18;
	v16 =	vmul.f32 v23, v23;
	v26 =	vmul.f32 v26, v28  }
0xa0: {  	v31 =	vsub.f32 v15, v18;
	v28 =	vadd.f32 v49, v34;
	v15 =	vperm.xlane v27, v0  }
0xa1: {  	v16 =	vsub.f32 v20, v16;
	v30 =	vmul.f32 v26, v30  }
0xa2: {  	v24 =	vadd.f32 v24, v28;
	v27 =	vadd.f32 v27, v15  }
0xa3: {  	s24 =	simm.s32 $0xC0;
	v16 =	vadd.f32 $9.999999740e-06, v16;
	v20 =	vmul.f32 v30, v26  }
0xa4: {  	v55 =	vld [tilespmem:s24+$0x350];
	v15 =	vsub.f32 v17, v23;
	v28 =	vperm.xlane v24, v0;
	v17 =	vperm.xlane v27, v1  }
0xa5: {  	v52 =	vshra.s32 v16, $0x1;
	v53 =	vmul.f32 $5.000000000e-01, v16;
	v16 =	vsub.f32 v22, v23;
	v22 =	vld [tilespmem:s24+$0x6750]  }
0xa6: {  	v51 =	vld [tilespmem:s24+$0x6720];
	v20 =	vsub.f32 $1.500000000e+00, v20;
	v24 =	vadd.f32 v28, v24  }
0xa7: {  	v57 =	vld [tilespmem:s24+$0x330];
	v18 =	vsub.f32 v14, v18;
	v27 =	vadd.f32 v27, v17  }
0xa8: {  	v40 =	vld [tilespmem:s24+$0x320];
	v33 =	vsub.s32 $0x5F3759DF, v52;
	v20 =	vmul.f32 v20, v26;
	v17 =	vperm.xlane v24, v1  }
0xa9: {  	v14 =	vsub.f32 v21, v23;
	v30 =	vld [tilespmem:s24+$0xCB50];
	v54 =	vmul.f32 v33, v53;
	v39 =	vperm.xlane v27, v2  }
0xaa: {  	v26 =	vld [tilespmem:s24+$0x6740];
	v38 =	vadd.f32 v22, v55;
	v37 =	vmul.f32 v20, v37;
	v24 =	vadd.f32 v17, v24  }
0xab: {  	v17 =	vsub.f32 v19, v23;
	v19 =	vld [tilespmem:s24+$0x340];
	v23 =	vmul.f32 v33, v54;
	v29 =	vmul.f32 v20, v29  }
0xac: {  	v28 =	vld [tilespmem:s24+$0x6730];
	v31 =	vmul.f32 v20, v31;
	v27 =	vadd.f32 v27, v39;
	v56 =	vmul.f32 v37, v5  }
0xad: {  	v21 =	vld [tilespmem:s24+$0xCB40];
	v58 =	vperm.xlane v24, v2;
	v23 =	vsub.f32 $1.500000000e+00, v23;
	v29 =	vmul.f32 v29, v6  }
0xae: {  	v41 =	vld [tilespmem:s24+$0xCB30];
	v18 =	vmul.f32 v20, v18;
	v20 =	vperm.xlane v27, v3;
	v36 =	vadd.f32 v56, v9  }
0xaf: {  	v39 =	vadd.f32 v58, v24;
	v24 =	vld [tilespmem:s24+$0xCB20];
	v23 =	vmul.f32 v33, v23;
	v59 =	vadd.f32 v29, v10  }
0xb0: {  	v22 =	vmul.f32 v18, v7;
	v18 =	vadd.f32 v26, v19;
	v26 =	vadd.f32 v27, v20  }
0xb1: {  	v19 =	vadd.f32 v28, v57;
	v20 =	vadd.f32 v30, v38;
	v28 =	vmul.f32 v23, v53  }
0xb2: {  	v30 =	vadd.f32 v51, v40;
	v27 =	vperm.xlane v39, v3;
	v18 =	vadd.f32 v21, v18  }
0xb3: {  	v21 =	vmul.f32 v31, v4;
	v19 =	vadd.f32 v41, v19;
	v28 =	vmul.f32 v28, v23  }
0xb4: {  	v31 =	vmul.f32 v20, v20;
	v26 =	vmul.f32 $1.562500000e-02, v26;
	v24 =	vadd.f32 v24, v30  }
0xb5: {  	v30 =	vmul.f32 v18, v18;
	v29 =	vadd.f32 v20, v18;
	v28 =	vsub.f32 $1.500000000e+00, v28  }
0xb6: {  	v60 =	vmul.f32 v19, v19;
	v61 =	vadd.f32 v19, v24;
	v62 =	vmul.f32 v24, v24  }
0xb7: {  	v39 =	vadd.f32 v27, v39;
	v63 =	vadd.f32 v31, v30;
	v27 =	vmul.f32 v28, v23  }
0xb8: {  	v30 =	vmul.f32 v26, v26;
	v31 =	vadd.f32 v29, v61;
	v23 =	vadd.f32 v60, v62  }
0xb9: {  	[tilespmem:s18+$0xFD30] =	vst v36;
	v25 =	vsub.f32 v25, v26;
	v29 =	vmul.f32 $1.562500000e-02, v39;
	v28 =	vmul.f32 v27, v53  }
0xba: {  	s23 =	simm.s32 $0x400;
	[tilespmem:s18+$0xFD40] =	vst v59;
	v32 =	vadd.f32 v63, v23;
	v33 =	vperm.xlane v31, v0;
	v23 =	vsub.f32 v48, v26  }
.LBB2_6:
0xbb: {  	s12 =	sshra.s32 s23, $0x2;
	p2 =	sne.s32 s23, $0xC700;
	s23 =	sadd.s32 $0x100, s23;
	v29 =	vsub.f32 v29, v30;
	v30 =	vsub.f32 v13, v26;
	v28 =	vmul.f32 v28, v27;
	v13 =	vmovc v24  }
0xbc: {  	v22 =	vadd.f32 v22, v11;
	v24 =	vld [tilespmem:s12+$0xCB40];
	v31 =	vadd.f32 v31, v33;
	v33 =	vperm.xlane v32, v0  }
0xbd: {  	v34 =	vld [tilespmem:s12+$0xCB50];
	v29 =	vadd.f32 $9.999999740e-06, v29;
	v28 =	vsub.f32 $1.500000000e+00, v28  }
0xbe: {  	v26 =	vsub.f32 v12, v26;
	v35 =	vld [tilespmem:s12+$0x6720];
	v36 =	vperm.xlane v31, v1;
	v32 =	vadd.f32 v33, v32;
	[tilespmem:s18+$0xFD50] =	vst v22  }
0xbf: {  	v12 =	vmovc v20;
	v33 =	vld [tilespmem:s12+$0x6730];
	v22 =	vshra.s32 v29, $0x1;
	v37 =	vmul.f32 $5.000000000e-01, v29;
	v27 =	vmul.f32 v28, v27  }
0xc0: {  	v20 =	vld [tilespmem:s12+$0x6740];
	v28 =	vadd.f32 v31, v36;
	v29 =	vperm.xlane v32, v1;
	v22 =	vsub.s32 $0x5F3759DF, v22  }
0xc1: {  	v21 =	vadd.f32 v21, v8;
	v31 =	vld [tilespmem:s12+$0x6750];
	v36 =	vmul.f32 v22, v37;
	v38 =	vmul.f32 v27, v14;
	v14 =	vmovc v25  }
0xc2: {  	v25 =	vld [tilespmem:s12+$0x350];
	v39 =	vperm.xlane v28, v2;
	v29 =	vadd.f32 v29, v32;
	v32 =	vmul.f32 v27, v16;
	v16 =	vmovc v30  }
0xc3: {  	v30 =	vld [tilespmem:s12+$0x340];
	v36 =	vmul.f32 v22, v36;
	v38 =	vmul.f32 v38, v5;
	[tilespmem:s18+$0xFD20] =	vst v21;
	s18 =	smov.u32 s22;
	s22 =	smov.u32 s11;
	s11 =	smov.u32 s24  }
0xc4: {  	v40 =	vmul.f32 v27, v15;
	v15 =	vmovc v23;
	s24 =	smov.u32 s12;
	v21 =	vld [tilespmem:s12+$0x330];
	v28 =	vadd.f32 v28, v39;
	v39 =	vperm.xlane v29, v2  }
0xc5: {  	v27 =	vmul.f32 v27, v17;
	v17 =	vmovc v26;
	v23 =	vld [tilespmem:s24+$0x320];
	v36 =	vsub.f32 $1.500000000e+00, v36;
	v38 =	vadd.f32 v38, v9  }
0xc6: {  	v26 =	vld [tilespmem:s24+$0xCB30];
	v41 =	vperm.xlane v28, v3;
	v29 =	vadd.f32 v39, v29;
	v39 =	vmul.f32 v40, v6  }
0xc7: {  	v40 =	vld [tilespmem:s24+$0xCB20];
	v25 =	vadd.f32 v31, v25;
	v31 =	vmul.f32 v22, v36;
	[tilespmem:s18+$0xFD30] =	vst v38;
	v22 =	vmul.f32 v27, v7  }
0xc8: {  	v27 =	vadd.f32 v20, v30;
	v28 =	vadd.f32 v28, v41;
	v30 =	vperm.xlane v29, v3  }
0xc9: {  	v33 =	vadd.f32 v33, v21;
	v20 =	vadd.f32 v34, v25;
	v25 =	vmul.f32 v31, v37  }
0xca: {  	v21 =	vmul.f32 v32, v4;
	v23 =	vadd.f32 v35, v23;
	v34 =	vadd.f32 v24, v27  }
0xcb: {  	v32 =	vadd.f32 v26, v33;
	v26 =	vmul.f32 v20, v20;
	v25 =	vmul.f32 v25, v31  }
0xcc: {  	v27 =	vadd.f32 v39, v10;
	v24 =	vadd.f32 v40, v23;
	v23 =	vmul.f32 v34, v34  }
0xcd: {  	v33 =	vadd.f32 v20, v34;
	v35 =	vmul.f32 v32, v32;
	v25 =	vsub.f32 $1.500000000e+00, v25  }
.Ltmp2:
0xce: {  	v29 =	vadd.f32 v30, v29;
	v36 =	vadd.f32 v32, v24;
	v38 =	vmul.f32 v24, v24;
	[tilespmem:s18+$0xFD40] =	vst v27;
	(pc) =	sbr.rel @p2 .LBB2_6-.Ltmp2, $4  }
0xcf: {  	v23 =	vadd.f32 v26, v23;
	v26 =	vmul.f32 $1.562500000e-02, v28;
	v27 =	vmul.f32 v25, v31  }
0xd0: {  	v29 =	vmul.f32 $1.562500000e-02, v29;
	v31 =	vadd.f32 v33, v36;
	v33 =	vadd.f32 v35, v38  }
0xd1: {  	v30 =	vmul.f32 v26, v26;
	v25 =	vsub.f32 v19, v26;
	v19 =	vmovc v32;
	v28 =	vmul.f32 v27, v37  }
0xd2: {  	v32 =	vadd.f32 v23, v33;
	v33 =	vperm.xlane v31, v0;
	v23 =	vsub.f32 v18, v26;
	v18 =	vmovc v34  }
0xd3: {  	_ = 	snop  }
0xd4: {  	v31 =	vadd.f32 v31, v33;
	v60 =	vperm.xlane v32, v0;
	_ =	sdelay $0x1  }
0xd5: {  	v34 =	vperm.xlane v31, v1;
	v32 =	vadd.f32 v60, v32;
	_ =	sdelay $0x1  }
0xd6: {  	v31 =	vadd.f32 v31, v34;
	v33 =	vperm.xlane v32, v1;
	_ =	sdelay $0x1  }
0xd7: {  	v34 =	vperm.xlane v31, v2;
	v32 =	vadd.f32 v33, v32;
	_ =	sdelay $0x1  }
0xd8: {  	v31 =	vadd.f32 v31, v34;
	v33 =	vperm.xlane v32, v2;
	_ =	sdelay $0x1  }
0xd9: {  	v34 =	vperm.xlane v31, v3;
	v32 =	vadd.f32 v33, v32;
	_ =	sdelay $0x1  }
0xda: {  	v31 =	vadd.f32 v31, v34;
	v33 =	vperm.xlane v32, v3  }
0xdb: {  	v29 =	vsub.f32 v29, v30  }
0xdc: {  	v30 =	vadd.f32 v33, v32;
	v31 =	vmul.f32 $1.562500000e-02, v31  }
0xdd: {  	v29 =	vadd.f32 $9.999999740e-06, v29  }
0xde: {  	v30 =	vmul.f32 $1.562500000e-02, v30;
	v61 =	vmul.f32 v31, v31  }
0xdf: {  	v62 =	vshra.s32 v29, $0x1;
	v29 =	vmul.f32 $5.000000000e-01, v29  }
0xe0: {  	v33 =	vsub.s32 $0x5F3759DF, v62;
	v30 =	vsub.f32 v30, v61  }
0xe1: {  	v63 =	vmul.f32 v33, v29  }
0xe2: {  	v30 =	vadd.f32 $9.999999740e-06, v30  }
0xe3: {  	v32 =	vmul.f32 v33, v63  }
0xe4: {  	v36 =	vshra.s32 v30, $0x1;
	v30 =	vmul.f32 $5.000000000e-01, v30  }
0xe5: {  	v32 =	vsub.f32 $1.500000000e+00, v32;
	v34 =	vsub.s32 $0x5F3759DF, v36  }
0xe6: {  	v35 =	vmul.f32 v34, v30  }
0xe7: {  	v32 =	vmul.f32 v33, v32  }
0xe8: {  	v37 =	vmul.f32 v34, v35  }
0xe9: {  	v38 =	vmul.f32 v32, v29  }
0xea: {  	v33 =	vsub.f32 $1.500000000e+00, v37  }
0xeb: {  	v35 =	vmul.f32 v38, v32  }
0xec: {  	v28 =	vmul.f32 v28, v27;
	v33 =	vmul.f32 v34, v33  }
0xed: {  	v39 =	vsub.f32 $1.500000000e+00, v35  }
0xee: {  	v28 =	vsub.f32 $1.500000000e+00, v28;
	v40 =	vmul.f32 v33, v30  }
0xef: {  	v32 =	vmul.f32 v39, v32  }
0xf0: {  	v27 =	vmul.f32 v28, v27;
	v41 =	vmul.f32 v40, v33  }
0xf1: {  	v13 =	vsub.f32 v13, v26;
	v28 =	vmul.f32 v32, v29  }
0xf2: {  	v14 =	vmul.f32 v27, v14;
	v15 =	vmul.f32 v27, v15;
	v29 =	vsub.f32 $1.500000000e+00, v41  }
0xf3: {  	v22 =	vadd.f32 v22, v11;
	v17 =	vmul.f32 v27, v17;
	v28 =	vmul.f32 v28, v32  }
0xf4: {  	v12 =	vsub.f32 v12, v26;
	v16 =	vmul.f32 v27, v16;
	v26 =	vmul.f32 v29, v33  }
0xf5: {  	v14 =	vmul.f32 v14, v5;
	v15 =	vmul.f32 v15, v6;
	v28 =	vsub.f32 $1.500000000e+00, v28  }
0xf6: {  	v21 =	vadd.f32 v21, v8;
	v17 =	vmul.f32 v17, v7;
	v29 =	vmul.f32 v26, v30  }
0xf7: {  	[tilespmem:s18+$0xFD50] =	vst v22;
	v16 =	vmul.f32 v16, v4;
	v15 =	vadd.f32 v15, v10;
	v27 =	vmul.f32 v28, v32  }
0xf8: {  	[tilespmem:s18+$0xFD20] =	vst v21;
	v14 =	vadd.f32 v14, v9;
	v17 =	vadd.f32 v17, v11;
	v28 =	vmul.f32 v29, v26  }
0xf9: {  	[tilespmem:s22+$0xFD40] =	vst v15;
	v15 =	vadd.f32 v16, v8;
	v22 =	vsub.f32 v24, v31;
	v25 =	vmul.f32 v27, v25  }
0xfa: {  	v23 =	vmul.f32 v27, v23;
	v12 =	vmul.f32 v27, v12;
	v24 =	vsub.f32 $1.500000000e+00, v28  }
0xfb: {  	v19 =	vsub.f32 v19, v31;
	v13 =	vmul.f32 v27, v13;
	v21 =	vmul.f32 v25, v5  }
0xfc: {  	[tilespmem:s22+$0xFD30] =	vst v14;
	v14 =	vsub.f32 v20, v31;
	v16 =	vmul.f32 v23, v6;
	v20 =	vmul.f32 v24, v26  }
0xfd: {  	[tilespmem:s22+$0xFD50] =	vst v17;
	v18 =	vsub.f32 v18, v31;
	v12 =	vmul.f32 v12, v7;
	v17 =	vadd.f32 v21, v9  }
0xfe: {  	[tilespmem:s22+$0xFD20] =	vst v15;
	v13 =	vmul.f32 v13, v4;
	v15 =	vadd.f32 v16, v10;
	v19 =	vmul.f32 v20, v19  }
0xff: {  	v12 =	vadd.f32 v12, v11;
	[tilespmem:s11+$0xFD30] =	vst v17;
	v16 =	vmul.f32 v20, v18  }
0x100: {  	v13 =	vadd.f32 v13, v8;
	[tilespmem:s11+$0xFD40] =	vst v15;
	v15 =	vmul.f32 v20, v22;
	v17 =	vmul.f32 v19, v5  }
0x101: {  	[tilespmem:s11+$0xFD50] =	vst v12;
	v14 =	vmul.f32 v20, v14;
	v16 =	vmul.f32 v16, v6  }
0x102: {  	[tilespmem:s11+$0xFD20] =	vst v13;
	v13 =	vmul.f32 v15, v4;
	v12 =	vadd.f32 v17, v9  }
0x103: {  	v14 =	vmul.f32 v14, v7;
	v15 =	vadd.f32 v16, v10  }
0x104: {  	s23 =	sadd.s32 s8, s17;
	v13 =	vadd.f32 v13, v8;
	[tilespmem:s24+$0xFD30] =	vst v12  }
0x105: {  	s11 =	smul.u32 $0x640, s23;
	v12 =	vadd.f32 v14, v11;
	[tilespmem:s24+$0xFD40] =	vst v15  }
0x106: {  	[tilespmem:s24+$0xFD20] =	vst v13  }
0x107: {  	s11 =	sadd.s32 s3, s11;
	[tilespmem:s24+$0xFD50] =	vst v12  }
0x108: {  	[hbm4b:s11+s5] =	stream.linear.scatter [tilespmem:s30], [sflag:$0x5], $0x3200, $0x38;
	[tilespmem:$0x161A0] =	vst v63  }
0x109: {  	s11 =	simm.s32 @!p0 $0x1  }
0x10a: {  	_ =	swait.ge @!p0 [sflag:s11], $0xC8  }
0x10b: {  	[sflag:s11] =	ssyncset.done @!p0 $0x0  }
0x10c: {  	[sflag:s11] =	ssyncadd.s32 @!p0 $0xFFFFFF38  }
0x10d: {  	_ =	swait.ge @!p0 [sflag:s11], $0xC8  }
0x10e: {  	s12 =	simm.s32 @!p0 $0x0;
	[sflag:s11] =	ssyncset.done @!p0 $0x0  }
0x10f: {  	s18 =	simm.s32 @!p0 $0x320;
	[sflag:s11] =	ssyncadd.s32 @!p0 $0xFFFFFF38;
	s11 =	simm.s32 @!p0 $0x78  }
0x110: {  	[tilespmem:s18], [sflag:$0x3] =	stream.indirect.gather @!p0 [hbm4b:s9+s11], $0x40, s12, s11, $0xb8;
	[tilespmem:$0x161A0] =	vst v63  }
0x111: {  	s22 =	simm.s32 @!p0 $0x6720;
	s18 =	simm.s32 @!p0 $0x190  }
0x112: {  	[tilespmem:s22], [sflag:$0x3] =	stream.indirect.gather @!p0 [hbm4b:s10+s11], $0x40, s18, s11, $0xb8;
	[tilespmem:$0x161A0] =	vst v63  }
0x113: {  	s18 =	simm.s32 @!p0 $0x50;
	s22 =	simm.s32 @!p0 $0x2120  }
0x114: {  	[tilespmem:s22], [sflag:$0x3] =	stream.indirect.gather @!p0 [hbm4b:s9+s18], $0x40, s11, s18, $0xb8;
	[tilespmem:$0x161A0] =	vst v63  }
0x115: {  	s11 =	simm.s32 @!p0 $0x208;
	s22 =	simm.s32 @!p0 $0x8520  }
0x116: {  	[tilespmem:s22], [sflag:$0x3] =	stream.indirect.gather @!p0 [hbm4b:s10+s18], $0x40, s11, s18, $0xb8;
	[tilespmem:$0x161A0] =	vst v63  }
0x117: {  	_ =	swait.ge [sflag:s31], $0x1E00  }
0x118: {  	[sflag:s31] =	ssyncset.done $0x0  }
0x119: {  	[sflag:s31] =	ssyncadd.s32 $0xFFFFE200  }
0x11a: {  	_ =	swait.ge [sflag:s31], $0x1E00  }
0x11b: {  	[sflag:s31] =	ssyncset.done $0x0  }
0x11c: {  	s17 =	sor.u32 $0x1, s17;
	[sflag:s31] =	ssyncadd.s32 $0xFFFFE200  }
0x11d: {  	s11 =	sadd.s32 @!p0 s8, s17;
	_ =	swait.ge [sflag:s31], $0x1400  }
0x11e: {  	s11 =	smul.u32 @!p0 $0xC8, s11;
	[sflag:s31] =	ssyncset.done $0x0  }
0x11f: {  	[sflag:s31] =	ssyncadd.s32 $0xFFFFEC00  }
0x120: {  	s11 =	sshrl.u32 @!p0 s11, $0x3;
	_ =	swait.ge [sflag:s31], $0x1400  }
0x121: {  	s11 =	sadd.s32 @!p0 $0x32, s11;
	[sflag:s31] =	ssyncset.done $0x0  }
0x122: {  	s22 =	simm.s32 @!p0 $0xC8;
	s18 =	sadd.s32 @!p0 s6, s11;
	[sflag:s31] =	ssyncadd.s32 $0xFFFFEC00  }
0x123: {  	[tilespmem:s22], [sflag:$0x2] =	stream.linear.gather @!p0 [hbm4b:s18+s12], $0xC8, $0x38;
	[tilespmem:$0x161A0] =	vst v63  }
0x124: {  	s11 =	sadd.s32 @!p0 s7, s11;
	s18 =	simm.s32 @!p0 $0x258  }
0x125: {  	[tilespmem:s18], [sflag:$0x2] =	stream.linear.gather @!p0 [hbm4b:s11+s12], $0xC8, $0x38;
	[tilespmem:$0x161A0] =	vst v63  }
0x126: {  	s11 =	simm.s32 @!p1 $0x6  }
0x127: {  	_ =	swait.ge @!p1 [sflag:s11], $0x3200  }
0x128: {  	[sflag:s11] =	ssyncset.done @!p1 $0x0  }
0x129: {  	s18 =	simm.s32 $0x0;
	[sflag:s11] =	ssyncadd.s32 @!p1 $0xFFFFCE00  }
0x12a: {  	v12 =	vld [tilespmem:s18+$0xCB40]  }
0x12b: {  	v13 =	vld [tilespmem:s18+$0xCB50]  }
0x12c: {  	v14 =	vld [tilespmem:s18+$0x9920]  }
0x12d: {  	v15 =	vld [tilespmem:s18+$0x9930]  }
0x12e: {  	v16 =	vld [tilespmem:s18+$0x9940]  }
0x12f: {  	v17 =	vld [tilespmem:s18+$0x9950]  }
0x130: {  	v18 =	vld [tilespmem:s18+$0x3550]  }
0x131: {  	v19 =	vld [tilespmem:s18+$0x3540]  }
0x132: {  	v20 =	vld [tilespmem:s18+$0x3530]  }
0x133: {  	v21 =	vld [tilespmem:s18+$0x3520]  }
0x134: {  	v22 =	vld [tilespmem:s18+$0xCB30]  }
0x135: {  	v23 =	vld [tilespmem:s18+$0xCB20];
	_ =	sdelay $0x1  }
0x136: {  	v17 =	vadd.f32 v17, v18;
	v16 =	vadd.f32 v16, v19  }
0x137: {  	v15 =	vadd.f32 v15, v20;
	v18 =	vadd.f32 v14, v21  }
0x138: {  	v14 =	vadd.f32 v13, v17;
	v16 =	vadd.f32 v12, v16  }
0x139: {  	v12 =	vadd.f32 v22, v15;
	v15 =	vadd.f32 v23, v18  }
0x13a: {  	v13 =	vmul.f32 v14, v14;
	v17 =	vmul.f32 v16, v16  }
0x13b: {  	v18 =	vmul.f32 v12, v12;
	v19 =	vmul.f32 v15, v15  }
0x13c: {  	v20 =	vadd.f32 v14, v16;
	v21 =	vadd.f32 v12, v15  }
0x13d: {  	s22 =	simm.s32 $0x40;
	v13 =	vadd.f32 v13, v17;
	v17 =	vadd.f32 v18, v19  }
0x13e: {  	v26 =	vld [tilespmem:s22+$0x3550];
	v18 =	vadd.f32 v20, v21  }
0x13f: {  	v27 =	vld [tilespmem:s22+$0x3540];
	v13 =	vadd.f32 v13, v17  }
0x140: {  	v22 =	vld [tilespmem:s22+$0x9920];
	v20 =	vperm.xlane v18, v0  }
0x141: {  	v23 =	vld [tilespmem:s22+$0x9930];
	v21 =	vperm.xlane v13, v0  }
0x142: {  	v19 =	vld [tilespmem:s22+$0xCB50];
	v18 =	vadd.f32 v18, v20  }
0x143: {  	v20 =	vld [tilespmem:s22+$0x9940];
	v13 =	vadd.f32 v21, v13  }
0x144: {  	v17 =	vld [tilespmem:s22+$0xCB40];
	v24 =	vperm.xlane v18, v1  }
0x145: {  	v21 =	vld [tilespmem:s22+$0x9950];
	v25 =	vperm.xlane v13, v1  }
0x146: {  	v18 =	vadd.f32 v18, v24;
	v24 =	vld [tilespmem:s22+$0x3530]  }
0x147: {  	v13 =	vadd.f32 v25, v13;
	v25 =	vld [tilespmem:s22+$0x3520]  }
0x148: {  	v30 =	vld [tilespmem:s22+$0xCB30];
	v20 =	vadd.f32 v20, v27  }
0x149: {  	v31 =	vld [tilespmem:s22+$0xCB20];
	v28 =	vperm.xlane v18, v2  }
0x14a: {  	v21 =	vadd.f32 v21, v26;
	v17 =	vadd.f32 v17, v20  }
0x14b: {  	v29 =	vperm.xlane v13, v2;
	v18 =	vadd.f32 v18, v28;
	v23 =	vadd.f32 v23, v24  }
0x14c: {  	v19 =	vadd.f32 v19, v21;
	v22 =	vadd.f32 v22, v25  }
0x14d: {  	v13 =	vadd.f32 v29, v13;
	v24 =	vperm.xlane v18, v3;
	v21 =	vadd.f32 v30, v23  }
0x14e: {  	v23 =	vmul.f32 v19, v19;
	v25 =	vadd.f32 v19, v17;
	v22 =	vadd.f32 v31, v22  }
0x14f: {  	v20 =	vperm.xlane v13, v3;
	v18 =	vadd.f32 v18, v24;
	v24 =	vmul.f32 v17, v17  }
0x150: {  	v26 =	vmul.f32 v21, v21;
	v27 =	vadd.f32 v21, v22;
	v28 =	vmul.f32 v22, v22  }
0x151: {  	v13 =	vadd.f32 v20, v13;
	v18 =	vmul.f32 $1.562500000e-02, v18;
	v20 =	vadd.f32 v23, v24  }
0x152: {  	v23 =	vadd.f32 v25, v27;
	v24 =	vadd.f32 v26, v28  }
0x153: {  	s11 =	simm.s32 $0x80;
	v13 =	vmul.f32 $1.562500000e-02, v13;
	v25 =	vmul.f32 v18, v18  }
0x154: {  	v43 =	vld [tilespmem:s11+$0x3550];
	v26 =	vperm.xlane v23, v0;
	v20 =	vadd.f32 v20, v24  }
0x155: {  	v45 =	vld [tilespmem:s11+$0x3530];
	v13 =	vsub.f32 v13, v25  }
0x156: {  	v36 =	vld [tilespmem:s11+$0x3520];
	v23 =	vadd.f32 v23, v26;
	v25 =	vperm.xlane v20, v0  }
0x157: {  	v38 =	vld [tilespmem:s11+$0xCB30];
	v13 =	vadd.f32 $9.999999740e-06, v13  }
0x158: {  	v31 =	vld [tilespmem:s11+$0x9950];
	v28 =	vperm.xlane v23, v1;
	v20 =	vadd.f32 v25, v20  }
0x159: {  	v27 =	vld [tilespmem:s11+$0x9920];
	v29 =	vshra.s32 v13, $0x1;
	v30 =	vmul.f32 $5.000000000e-01, v13  }
0x15a: {  	v25 =	vld [tilespmem:s11+$0x9930];
	v23 =	vadd.f32 v23, v28;
	v28 =	vsub.s32 $0x5F3759DF, v29;
	v29 =	vperm.xlane v20, v1  }
0x15b: {  	v13 =	vld [tilespmem:s11+$0x9940];
	v42 =	vmul.f32 v28, v30  }
0x15c: {  	v44 =	vperm.xlane v23, v2;
	v20 =	vadd.f32 v29, v20;
	v29 =	vld [tilespmem:s11+$0x3540]  }
0x15d: {  	v37 =	vsub.f32 v12, v18;
	v24 =	vld [tilespmem:s11+$0xCB40];
	v32 =	vmul.f32 v28, v42  }
0x15e: {  	v31 =	vadd.f32 v31, v43;
	v26 =	vld [tilespmem:s11+$0xCB50];
	v23 =	vadd.f32 v23, v44  }
0x15f: {  	v47 =	vld [tilespmem:s11+$0xCB20];
	v25 =	vadd.f32 v25, v45;
	v32 =	vsub.f32 $1.500000000e+00, v32  }
0x160: {  	v27 =	vadd.f32 v27, v36;
	v46 =	vperm.xlane v20, v2;
	v12 =	vperm.xlane v23, v3  }
0x161: {  	v25 =	vadd.f32 v38, v25;
	v28 =	vmul.f32 v28, v32;
	v13 =	vadd.f32 v13, v29  }
0x162: {  	v20 =	vadd.f32 v46, v20;
	v23 =	vadd.f32 v23, v12  }
0x163: {  	v12 =	vadd.f32 v26, v31;
	v26 =	vmul.f32 v28, v30;
	v48 =	vadd.f32 v24, v13  }
0x164: {  	v49 =	vmul.f32 v25, v25;
	v24 =	vperm.xlane v20, v3;
	v13 =	vadd.f32 v47, v27  }
0x165: {  	v29 =	vmul.f32 v12, v12;
	v26 =	vmul.f32 v26, v28;
	v31 =	vadd.f32 v12, v48  }
0x166: {  	v27 =	vmul.f32 v48, v48;
	v50 =	vadd.f32 v25, v13;
	v20 =	vadd.f32 v24, v20  }
0x167: {  	v23 =	vmul.f32 $1.562500000e-02, v23;
	v34 =	vmul.f32 v13, v13;
	v26 =	vsub.f32 $1.500000000e+00, v26  }
0x168: {  	v24 =	vadd.f32 v29, v27;
	v27 =	vadd.f32 v31, v50;
	v20 =	vmul.f32 $1.562500000e-02, v20  }
0x169: {  	v29 =	vsub.f32 v16, v18;
	v16 =	vmul.f32 v23, v23;
	v26 =	vmul.f32 v26, v28  }
0x16a: {  	v31 =	vsub.f32 v15, v18;
	v28 =	vadd.f32 v49, v34;
	v15 =	vperm.xlane v27, v0  }
0x16b: {  	v16 =	vsub.f32 v20, v16;
	v30 =	vmul.f32 v26, v30  }
0x16c: {  	v24 =	vadd.f32 v24, v28;
	v27 =	vadd.f32 v27, v15  }
0x16d: {  	s24 =	simm.s32 $0xC0;
	v16 =	vadd.f32 $9.999999740e-06, v16;
	v20 =	vmul.f32 v30, v26  }
0x16e: {  	v55 =	vld [tilespmem:s24+$0x3550];
	v15 =	vsub.f32 v17, v23;
	v28 =	vperm.xlane v24, v0;
	v17 =	vperm.xlane v27, v1  }
0x16f: {  	v52 =	vshra.s32 v16, $0x1;
	v53 =	vmul.f32 $5.000000000e-01, v16;
	v16 =	vsub.f32 v22, v23;
	v22 =	vld [tilespmem:s24+$0x9950]  }
0x170: {  	v51 =	vld [tilespmem:s24+$0x9920];
	v20 =	vsub.f32 $1.500000000e+00, v20;
	v24 =	vadd.f32 v28, v24  }
0x171: {  	v57 =	vld [tilespmem:s24+$0x3530];
	v18 =	vsub.f32 v14, v18;
	v27 =	vadd.f32 v27, v17  }
0x172: {  	v40 =	vld [tilespmem:s24+$0x3520];
	v33 =	vsub.s32 $0x5F3759DF, v52;
	v20 =	vmul.f32 v20, v26;
	v17 =	vperm.xlane v24, v1  }
0x173: {  	v14 =	vsub.f32 v21, v23;
	v30 =	vld [tilespmem:s24+$0xCB50];
	v54 =	vmul.f32 v33, v53;
	v39 =	vperm.xlane v27, v2  }
0x174: {  	v26 =	vld [tilespmem:s24+$0x9940];
	v38 =	vadd.f32 v22, v55;
	v37 =	vmul.f32 v20, v37;
	v24 =	vadd.f32 v17, v24  }
0x175: {  	v17 =	vsub.f32 v19, v23;
	v19 =	vld [tilespmem:s24+$0x3540];
	v23 =	vmul.f32 v33, v54;
	v29 =	vmul.f32 v20, v29  }
0x176: {  	v28 =	vld [tilespmem:s24+$0x9930];
	v31 =	vmul.f32 v20, v31;
	v27 =	vadd.f32 v27, v39;
	v56 =	vmul.f32 v37, v5  }
0x177: {  	v21 =	vld [tilespmem:s24+$0xCB40];
	v58 =	vperm.xlane v24, v2;
	v23 =	vsub.f32 $1.500000000e+00, v23;
	v29 =	vmul.f32 v29, v6  }
0x178: {  	v41 =	vld [tilespmem:s24+$0xCB30];
	v18 =	vmul.f32 v20, v18;
	v20 =	vperm.xlane v27, v3;
	v36 =	vadd.f32 v56, v9  }
0x179: {  	v39 =	vadd.f32 v58, v24;
	v24 =	vld [tilespmem:s24+$0xCB20];
	v23 =	vmul.f32 v33, v23;
	v59 =	vadd.f32 v29, v10  }
0x17a: {  	v22 =	vmul.f32 v18, v7;
	v18 =	vadd.f32 v26, v19;
	v26 =	vadd.f32 v27, v20  }
0x17b: {  	v19 =	vadd.f32 v28, v57;
	v20 =	vadd.f32 v30, v38;
	v28 =	vmul.f32 v23, v53  }
0x17c: {  	v30 =	vadd.f32 v51, v40;
	v27 =	vperm.xlane v39, v3;
	v18 =	vadd.f32 v21, v18  }
0x17d: {  	v21 =	vmul.f32 v31, v4;
	v19 =	vadd.f32 v41, v19;
	v28 =	vmul.f32 v28, v23  }
0x17e: {  	v31 =	vmul.f32 v20, v20;
	v26 =	vmul.f32 $1.562500000e-02, v26;
	v24 =	vadd.f32 v24, v30  }
0x17f: {  	v30 =	vmul.f32 v18, v18;
	v29 =	vadd.f32 v20, v18;
	v28 =	vsub.f32 $1.500000000e+00, v28  }
0x180: {  	v60 =	vmul.f32 v19, v19;
	v61 =	vadd.f32 v19, v24;
	v62 =	vmul.f32 v24, v24  }
0x181: {  	v39 =	vadd.f32 v27, v39;
	v63 =	vadd.f32 v31, v30;
	v27 =	vmul.f32 v28, v23  }
0x182: {  	v30 =	vmul.f32 v26, v26;
	v31 =	vadd.f32 v29, v61;
	v23 =	vadd.f32 v60, v62  }
0x183: {  	[tilespmem:s18+$0x12F30] =	vst v36;
	v25 =	vsub.f32 v25, v26;
	v29 =	vmul.f32 $1.562500000e-02, v39;
	v28 =	vmul.f32 v27, v53  }
0x184: {  	s23 =	simm.s32 $0x400;
	[tilespmem:s18+$0x12F40] =	vst v59;
	v32 =	vadd.f32 v63, v23;
	v33 =	vperm.xlane v31, v0;
	v23 =	vsub.f32 v48, v26  }
.LBB2_8:
0x185: {  	s12 =	sshra.s32 s23, $0x2;
	p0 =	sne.s32 s23, $0xC700;
	s23 =	sadd.s32 $0x100, s23;
	v29 =	vsub.f32 v29, v30;
	v30 =	vsub.f32 v13, v26;
	v28 =	vmul.f32 v28, v27;
	v13 =	vmovc v24  }
0x186: {  	v22 =	vadd.f32 v22, v11;
	v24 =	vld [tilespmem:s12+$0xCB40];
	v31 =	vadd.f32 v31, v33;
	v33 =	vperm.xlane v32, v0  }
0x187: {  	v34 =	vld [tilespmem:s12+$0xCB50];
	v29 =	vadd.f32 $9.999999740e-06, v29;
	v28 =	vsub.f32 $1.500000000e+00, v28  }
0x188: {  	v26 =	vsub.f32 v12, v26;
	v35 =	vld [tilespmem:s12+$0x9920];
	v36 =	vperm.xlane v31, v1;
	v32 =	vadd.f32 v33, v32;
	[tilespmem:s18+$0x12F50] =	vst v22  }
0x189: {  	v12 =	vmovc v20;
	v33 =	vld [tilespmem:s12+$0x9930];
	v22 =	vshra.s32 v29, $0x1;
	v37 =	vmul.f32 $5.000000000e-01, v29;
	v27 =	vmul.f32 v28, v27  }
0x18a: {  	v20 =	vld [tilespmem:s12+$0x9940];
	v28 =	vadd.f32 v31, v36;
	v29 =	vperm.xlane v32, v1;
	v22 =	vsub.s32 $0x5F3759DF, v22  }
0x18b: {  	v21 =	vadd.f32 v21, v8;
	v31 =	vld [tilespmem:s12+$0x9950];
	v36 =	vmul.f32 v22, v37;
	v38 =	vmul.f32 v27, v14;
	v14 =	vmovc v25  }
0x18c: {  	v25 =	vld [tilespmem:s12+$0x3550];
	v39 =	vperm.xlane v28, v2;
	v29 =	vadd.f32 v29, v32;
	v32 =	vmul.f32 v27, v16;
	v16 =	vmovc v30  }
0x18d: {  	v30 =	vld [tilespmem:s12+$0x3540];
	v36 =	vmul.f32 v22, v36;
	v38 =	vmul.f32 v38, v5;
	[tilespmem:s18+$0x12F20] =	vst v21;
	s18 =	smov.u32 s22;
	s22 =	smov.u32 s11;
	s11 =	smov.u32 s24  }
0x18e: {  	v40 =	vmul.f32 v27, v15;
	v15 =	vmovc v23;
	s24 =	smov.u32 s12;
	v21 =	vld [tilespmem:s12+$0x3530];
	v28 =	vadd.f32 v28, v39;
	v39 =	vperm.xlane v29, v2  }
0x18f: {  	v27 =	vmul.f32 v27, v17;
	v17 =	vmovc v26;
	v23 =	vld [tilespmem:s24+$0x3520];
	v36 =	vsub.f32 $1.500000000e+00, v36;
	v38 =	vadd.f32 v38, v9  }
0x190: {  	v26 =	vld [tilespmem:s24+$0xCB30];
	v41 =	vperm.xlane v28, v3;
	v29 =	vadd.f32 v39, v29;
	v39 =	vmul.f32 v40, v6  }
0x191: {  	v40 =	vld [tilespmem:s24+$0xCB20];
	v25 =	vadd.f32 v31, v25;
	v31 =	vmul.f32 v22, v36;
	[tilespmem:s18+$0x12F30] =	vst v38;
	v22 =	vmul.f32 v27, v7  }
0x192: {  	v27 =	vadd.f32 v20, v30;
	v28 =	vadd.f32 v28, v41;
	v30 =	vperm.xlane v29, v3  }
0x193: {  	v33 =	vadd.f32 v33, v21;
	v20 =	vadd.f32 v34, v25;
	v25 =	vmul.f32 v31, v37  }
0x194: {  	v21 =	vmul.f32 v32, v4;
	v23 =	vadd.f32 v35, v23;
	v34 =	vadd.f32 v24, v27  }
0x195: {  	v32 =	vadd.f32 v26, v33;
	v26 =	vmul.f32 v20, v20;
	v25 =	vmul.f32 v25, v31  }
0x196: {  	v27 =	vadd.f32 v39, v10;
	v24 =	vadd.f32 v40, v23;
	v23 =	vmul.f32 v34, v34  }
0x197: {  	v33 =	vadd.f32 v20, v34;
	v35 =	vmul.f32 v32, v32;
	v25 =	vsub.f32 $1.500000000e+00, v25  }
.Ltmp3:
0x198: {  	v29 =	vadd.f32 v30, v29;
	v36 =	vadd.f32 v32, v24;
	v38 =	vmul.f32 v24, v24;
	[tilespmem:s18+$0x12F40] =	vst v27;
	(pc) =	sbr.rel @p0 .LBB2_8-.Ltmp3, $4  }
0x199: {  	v23 =	vadd.f32 v26, v23;
	v26 =	vmul.f32 $1.562500000e-02, v28;
	v27 =	vmul.f32 v25, v31  }
0x19a: {  	v29 =	vmul.f32 $1.562500000e-02, v29;
	v31 =	vadd.f32 v33, v36;
	v33 =	vadd.f32 v35, v38  }
0x19b: {  	v30 =	vmul.f32 v26, v26;
	v25 =	vsub.f32 v19, v26;
	v19 =	vmovc v32;
	v28 =	vmul.f32 v27, v37  }
0x19c: {  	v32 =	vadd.f32 v23, v33;
	v33 =	vperm.xlane v31, v0;
	v23 =	vsub.f32 v18, v26;
	v18 =	vmovc v34  }
0x19d: {  	_ = 	snop  }
0x19e: {  	v31 =	vadd.f32 v31, v33;
	v59 =	vperm.xlane v32, v0;
	_ =	sdelay $0x1  }
0x19f: {  	v34 =	vperm.xlane v31, v1;
	v32 =	vadd.f32 v59, v32;
	_ =	sdelay $0x1  }
0x1a0: {  	v31 =	vadd.f32 v31, v34;
	v33 =	vperm.xlane v32, v1;
	_ =	sdelay $0x1  }
0x1a1: {  	v34 =	vperm.xlane v31, v2;
	v32 =	vadd.f32 v33, v32;
	_ =	sdelay $0x1  }
0x1a2: {  	v31 =	vadd.f32 v31, v34;
	v33 =	vperm.xlane v32, v2;
	_ =	sdelay $0x1  }
0x1a3: {  	v34 =	vperm.xlane v31, v3;
	v32 =	vadd.f32 v33, v32;
	_ =	sdelay $0x1  }
0x1a4: {  	v31 =	vadd.f32 v31, v34;
	v33 =	vperm.xlane v32, v3;
	_ =	sdelay $0x1  }
0x1a5: {  	v29 =	vsub.f32 v29, v30;
	v60 =	vadd.f32 v33, v32;
	v31 =	vmul.f32 $1.562500000e-02, v31;
	_ =	sdelay $0x1  }
0x1a6: {  	v29 =	vadd.f32 $9.999999740e-06, v29;
	v30 =	vmul.f32 $1.562500000e-02, v60;
	v61 =	vmul.f32 v31, v31;
	_ =	sdelay $0x1  }
0x1a7: {  	v62 =	vshra.s32 v29, $0x1;
	v29 =	vmul.f32 $5.000000000e-01, v29;
	v30 =	vsub.f32 v30, v61  }
0x1a8: {  	v33 =	vsub.s32 $0x5F3759DF, v62  }
0x1a9: {  	v63 =	vmul.f32 v33, v29;
	v30 =	vadd.f32 $9.999999740e-06, v30;
	_ =	sdelay $0x1  }
0x1aa: {  	v32 =	vmul.f32 v33, v63;
	v36 =	vshra.s32 v30, $0x1;
	v30 =	vmul.f32 $5.000000000e-01, v30  }
0x1ab: {  	v34 =	vsub.s32 $0x5F3759DF, v36  }
0x1ac: {  	v32 =	vsub.f32 $1.500000000e+00, v32;
	v35 =	vmul.f32 v34, v30;
	_ =	sdelay $0x1  }
0x1ad: {  	v32 =	vmul.f32 v33, v32;
	v37 =	vmul.f32 v34, v35;
	_ =	sdelay $0x1  }
0x1ae: {  	v38 =	vmul.f32 v32, v29;
	v33 =	vsub.f32 $1.500000000e+00, v37  }
0x1af: {  	v28 =	vmul.f32 v28, v27  }
0x1b0: {  	v35 =	vmul.f32 v38, v32;
	v33 =	vmul.f32 v34, v33  }
0x1b1: {  	v28 =	vsub.f32 $1.500000000e+00, v28  }
0x1b2: {  	v39 =	vsub.f32 $1.500000000e+00, v35;
	v40 =	vmul.f32 v33, v30  }
0x1b3: {  	v42 =	vmul.f32 v28, v27  }
0x1b4: {  	v32 =	vmul.f32 v39, v32;
	v41 =	vmul.f32 v40, v33  }
0x1b5: {  	v13 =	vsub.f32 v13, v26  }
0x1b6: {  	v14 =	vmul.f32 v42, v14;
	v43 =	vmul.f32 v32, v29;
	v44 =	vsub.f32 $1.500000000e+00, v41  }
0x1b7: {  	v22 =	vadd.f32 v22, v11;
	v15 =	vmul.f32 v42, v15;
	v17 =	vmul.f32 v42, v17  }
0x1b8: {  	v12 =	vsub.f32 v12, v26;
	v28 =	vmul.f32 v43, v32;
	v45 =	vmul.f32 v44, v33  }
0x1b9: {  	v21 =	vadd.f32 v21, v8;
	v16 =	vmul.f32 v42, v16;
	v14 =	vmul.f32 v14, v5  }
0x1ba: {  	v15 =	vmul.f32 v15, v6;
	v28 =	vsub.f32 $1.500000000e+00, v28;
	v29 =	vmul.f32 v45, v30  }
0x1bb: {  	v17 =	vmul.f32 v17, v7;
	v16 =	vmul.f32 v16, v4;
	v14 =	vadd.f32 v14, v9  }
0x1bc: {  	v15 =	vadd.f32 v15, v10;
	v46 =	vmul.f32 v28, v32;
	v47 =	vmul.f32 v29, v45  }
0x1bd: {  	v17 =	vadd.f32 v17, v11;
	v53 =	vadd.f32 v16, v8  }
0x1be: {  	[tilespmem:s18+$0x12F50] =	vst v22;
	v19 =	vsub.f32 v19, v31;
	v25 =	vmul.f32 v46, v25;
	v49 =	vsub.f32 $1.500000000e+00, v47  }
0x1bf: {  	[tilespmem:s18+$0x12F20] =	vst v21;
	v18 =	vsub.f32 v18, v31;
	v23 =	vmul.f32 v46, v23;
	v12 =	vmul.f32 v46, v12  }
0x1c0: {  	[tilespmem:s22+$0x12F30] =	vst v14;
	v48 =	vsub.f32 v24, v31;
	v50 =	vmul.f32 v25, v5;
	v52 =	vmul.f32 v49, v45  }
0x1c1: {  	[tilespmem:s22+$0x12F40] =	vst v15;
	v51 =	vsub.f32 v20, v31;
	v13 =	vmul.f32 v46, v13;
	v54 =	vmul.f32 v23, v6  }
0x1c2: {  	[tilespmem:s22+$0x12F50] =	vst v17;
	v12 =	vmul.f32 v12, v7;
	v55 =	vadd.f32 v50, v9;
	v19 =	vmul.f32 v52, v19  }
0x1c3: {  	[tilespmem:s22+$0x12F20] =	vst v53;
	v13 =	vmul.f32 v13, v4;
	v56 =	vadd.f32 v54, v10;
	v57 =	vmul.f32 v52, v18  }
0x1c4: {  	v12 =	vadd.f32 v12, v11;
	[tilespmem:s11+$0x12F30] =	vst v55;
	v14 =	vmul.f32 v52, v51;
	v58 =	vmul.f32 v19, v5  }
0x1c5: {  	v13 =	vadd.f32 v13, v8;
	[tilespmem:s11+$0x12F40] =	vst v56;
	v59 =	vmul.f32 v52, v48;
	v16 =	vmul.f32 v57, v6  }
0x1c6: {  	s16 =	sadd.s32 $0x1, s16;
	[tilespmem:s11+$0x12F50] =	vst v12;
	v14 =	vmul.f32 v14, v7;
	v60 =	vadd.f32 v58, v9  }
0x1c7: {  	p0 =	sne.s32 s16, $0x40;
	[tilespmem:s11+$0x12F20] =	vst v13;
	v61 =	vmul.f32 v59, v4;
	v62 =	vadd.f32 v16, v10  }
.Ltmp4:
0x1c8: {  	s23 =	sadd.s32 s8, s17;
	v63 =	vadd.f32 v14, v11;
	[tilespmem:s24+$0x12F30] =	vst v60;
	(pc) =	sbr.rel @p0 .LBB2_2-.Ltmp4, $4  }
0x1c9: {  	s11 =	smul.u32 $0x640, s23;
	v13 =	vadd.f32 v61, v8;
	[tilespmem:s24+$0x12F40] =	vst v62  }
0x1ca: {  	[tilespmem:s24+$0x12F50] =	vst v63  }
0x1cb: {  	s11 =	sadd.s32 s3, s11;
	[tilespmem:s24+$0x12F20] =	vst v13  }
0x1cc: {  	[hbm4b:s11+s5] =	stream.linear.scatter [tilespmem:s0], [sflag:$0x6], $0x3200, $0x38;
	[tilespmem:$0x161A0] =	vst v63  }
0x1cd: {  	_ =	swait.ge [sflag:s19], $0x3200  }
0x1ce: {  	[sflag:s19] =	ssyncset.done $0x0  }
0x1cf: {  	s12 =	simm.s32 $0x6;
	[sflag:s19] =	ssyncadd.s32 $0xFFFFCE00  }
0x1d0: {  	_ =	swait.ge [sflag:s12], $0x3200  }
0x1d1: {  	s16 =	rddreg [dreg:$0xb]  }
0x1d2: {  	s11 =	rddreg [dreg:$0xa];
	s16 =	sadd.s32 $0x1, s16  }
0x1d3: {  	p0 =	sne.s32 s16, s11  }
.Ltmp5:
0x1d4: {  	_ = 	snop;
	(pc) =	sbr.rel @p0 .LBB2_1-.Ltmp5, $3  }
0x1d5: {  	_ =	sdelay $0x1  }
0x1d6: {  	[sflag:s12] =	ssyncset.done $0x0  }
0x1d7: {  	[sflag:s12] =	ssyncadd.s32 $0xFFFFCE00  }
0x1d8: {  	_ =	sfence.sel $0x180000  }
0x1d9: {  	[bflag:$0x0] =	sbarrier.arrive $0xFFFF  }
0x1da: {  	_ =	strace $0x90000047  }
0x1db: {  	s0 =	stileid.u32;
	[bflag:$0x2] =	sbarrier.arrive $0xFFFF  }
0x1dc: {  	p0 =	sne.s32 s0, $0x0;
	s0 =	rddreg [dreg:$0x4]  }
0x1dd: {  	s0 =	sadd.s32 @!p0 $0x100000, s0  }
0x1de: {  	[sflag:s0] =	ssyncadd.tile.s32 @!p0 $0x1;
	_ =	shalt  }
.Lfunc_end2:
_tile_overlayer_lowered:
.L_overlay_start_2:
0x1df: {  	(tag) =	ssettag $0x2  }
0x1e0: {  	s0 =	rddreg [dreg:$0x0];
	s2 =	stileid.u32  }
0x1e1: {  	s1 =	rddreg [dreg:$0x1];
	p0 =	sne.s32 s2, $0x0  }
0x1e2: {  	s3 =	rddreg [dreg:$0x2];
	[bflag:$0x3] =	sbarrier.arrive $0xFFFF;
	s2 =	simm.s32 @!p0 $0x1C07  }
0x1e3: {  	[timem:s3], [sflag:s2] =	dma.local @!p0 [hbm:s0], s1  }
0x1e4: {  	s0 =	simm.s32 @!p0 $0x7  }
0x1e5: {  	_ =	swait.ge @!p0 [sflag:s0], s1  }
0x1e6: {  	s1 =	ssub.s32 @!p0 $0x0, s1;
	[sflag:s0] =	ssyncset.done @!p0 $0x0  }
0x1e7: {  	[sflag:s0] =	ssyncadd.s32 @!p0 s1  }
0x1e8: {  	[bflag:$0x3] =	sbarrier.arrive $0xFFFF  }
0x1e9: {  	_ =	shalt  }

// kernel: sparse-core-data-format-call.cloned.1.call-start
scs
called_computation_lowered:
.L_overlay_start_0:
0x0: {  	s2 =	sld [smem:$0x3FD9]  }
0x1: {  	s3 =	sld [smem:$0x3FFE];
	_ =	sdelay $0x1  }
0x2: {  	s1 =	srdreg.scid  }
0x3: {  	s0 =	sand.u32 $0x1, s1  }
0x4: {  	s18 =	sshll.u32 s0, $0xA;
	s2 =	sadd.s32 s3, s2  }
0x5: {  	s2 =	sadd.s32 s2, s18  }
0x6: {  	[smem:$0x3FC2] =	sst s2  }
0x7: {  	_ = 	snop  }
0x8: {  	s2 =	sld [smem:$0x3FD0];
	(tm) =	ssettm $0x1  }
0x9: {  	s19 =	sld [smem:$0x3FFB];
	_ =	sdelay $0x3  }
0xa: {  	_ =	strace s19  }
0xb: {  	s3 =	sld [smem:$0x3FFC];
	_ =	sdelay $0x3  }
0xc: {  	_ =	strace s3  }
0xd: {  	s3 =	sld [smem:$0x3FFD];
	_ =	sdelay $0x3  }
0xe: {  	_ =	strace s3  }
0xf: {  	_ =	strace $0x8FFFFFFF  }
0x10: {  	s20 =	sld [smem:$0x3FDB];
	_ =	sdelay $0x1  }
0x11: {  	s4 =	simm.s32 $_scs_section_size  }
0x12: {  	s5 =	simm.s32 $_size__tile_overlayer_lowered;
	s6 =	simm.s32 $_tile_overlayer_lowered  }
0x13: {  	s23 =	simm.s32 $0x1BFF;
	s22 =	sshll.u32 s6, $0x1;
	s3 =	sadd.s32 s4, s20  }
0x14: {  	s7 =	simm.s32 $0x0;
	s21 =	sshll.u32 s5, $0x1;
	s5 =	sadd.s32 s22, s3  }
0x15: {  	[timem:s7], [sflag:s23] =	dma.local [hbm:s5], s21  }
0x16: {  	_ =	swait.ge [sflag:s23], s21  }
0x17: {  	s4 =	ssub.s32 $0x0, s21;
	[sflag:s23] =	ssyncset.done $0x0  }
0x18: {  	[sflag:s23] =	ssyncadd.s32 s4;
	_ =	sdelay $0x1  }
0x19: {  	s24 =	simm.s32 $0x1B8B  }
0x1a: {  	_ =	swait.ge [sflag:s24], $0x1  }
0x1b: {  	[sflag:s24] =	ssyncset.done $0x0  }
0x1c: {  	s26 =	simm.s32 $0x1B8E;
	s25 =	sld [smem:$0x3FFE];
	[sflag:s24] =	ssyncadd.s32 $0xFFFFFFFF  }
0x1d: {  	s27 =	simm.s32 $execute0_lowered;
	[smem:$0x3FD2] =	sst s26  }
0x1e: {  	s5 =	sshll.u32 s27, $0x1;
	_ =	strace $0x80000049;
	[dreg:$0x1] =	wrdreg $0xFFFFFFFF  }
0x1f: {  	s28 =	simm.s32 $_size_execute0_lowered;
	s3 =	sadd.s32 s3, s5;
	[dreg:$0x0] =	wrdreg $0x0  }
0x20: {  	s5 =	sshll.u32 s28, $0x1;
	[dreg:$0x2] =	wrdreg s3  }
0x21: {  	[dreg:$0x3] =	wrdreg s5  }
0x22: {  	[dreg:$0x4] =	wrdreg $0xC0  }
0x23: {  	_ =	task [dreg:s7], $0x5FFFF  }
0x24: {  	[dreg:$0x1] =	wrdreg $0xFFFFFFFF  }
0x25: {  	[dreg:$0x0] =	wrdreg $0x60  }
0x26: {  	[dreg:$0x2] =	wrdreg s25  }
0x27: {  	[dreg:$0x3] =	wrdreg s2  }
0x28: {  	[dreg:$0x4] =	wrdreg $0x9  }
0x29: {  	_ =	task.clear_ibuf [dreg:s7], $0x5FFFF;
	_ =	strace $0x90000049  }
0x2a: {  	s29 =	simm.s32 $0x9;
	_ =	strace $0x8000004B  }
0x2b: {  	_ =	swait.ge [sflag:s29], $0x1  }
0x2c: {  	[sflag:s29] =	ssyncadd.s32 $0xFFFFFFFF  }
0x2d: {  	_ =	strace $0x9000004B  }
0x2e: {  	_ =	sfence  }
0x2f: {  	s30 =	sld [smem:$0x0];
	_ =	sdelay $0x2  }
0x30: {  	s31 =	sshll.u32 s1, $0xD;
	s1 =	sshrl.u32 s1, $0x2  }
0x31: {  	s3 =	sand.u32 $0x4000, s31;
	s1 =	sadd.s32 s1, s30  }
0x32: {  	s0 =	sor.u32 s3, s0;
	s1 =	sshll.u32 s1, $0x11  }
0x33: {  	s0 =	sor.u32 s1, s0  }
0x34: {  	s0 =	sadd.s32 $0x8F2B, s0  }
0x35: {  	[sflag:s0] =	ssyncadd.remote.s32 $0x1  }
0x36: {  	_ =	sfence.sel $0xFFFF  }
0x37: {  	[dreg:$0x0] =	wrdreg $0xFFFFFFFF;
	(pc) =	sbr.abs _section_cstart, $3  }
0x38: {  	[dreg:$0x1] =	wrdreg $0xFFFFFFFF  }
0x39: {  	_ =	task.clear_ibuf [dreg:s7], $0x2FFFF;
	_ =	strace $0x9FFFFFFF  }
0x3a: {  	(tm) =	ssettm $0x7FFFFFFF  }
0x3b: {  	_ =	shalt  }
tec
execute0_lowered:
.L_overlay_start_1:
0x0: {  	(tag) =	ssettag $0x1  }
0x1: {  	s0 =	srdreg.scid  }
0x2: {  	s1 =	sshll.u32 s0, $0x4  }
0x3: {  	s0 =	stileid.u32;
	s1 =	sand.u32 $0x10, s1  }
0x4: {  	s1 =	sor.u32 s0, s1  }
0x5: {  	s6 =	rddreg [dreg:$0x0];
	s4 =	simm.s32 $0x1;
	s2 =	sshll.u32 s1, $0x7  }
0x6: {  	s7 =	simm.s32 $0x2;
	s12 =	simm.s32 $0x0;
	s1 =	ssub.s32 $0x1000, s2  }
0x7: {  	s8 =	simm.s32 $0x8000;
	s13 =	simm.s32 $0x0;
	s3 =	sand.u32 $0xF80, s1  }
0x8: {  	s9 =	simm.s32 $0x0;
	s5 =	sshrl.u32 s1, $0xC;
	p0 =	sne.s32 s3, $0x0  }
.Ltmp0:
0x9: {  	s1 =	rddreg [dreg:$0x2];
	s4 =	simm.s32 @!p0 $0x0;
	(pc) =	sbr.rel .LBB1_1-.Ltmp0, $4  }
0xa: {  	s11 =	simm.s32 $0x0;
	s3 =	rddreg [dreg:$0x1];
	s5 =	sadd.s32 s4, s5  }
0xb: {  	_ =	strace $0x8000004A;
	s4 =	simm.s32 $0x1;
	s5 =	smul.u32 $0xC8, s5  }
0xc: {  	s6 =	sadd.s32 $0x1000, s6;
	s10 =	smov.u32 s2;
	[sflag:s4] =	ssyncpa.u1 $0x0  }
0xd: {  	p0 =	por $0x0, $0x0;
	[sflag:s7] =	ssyncpa.u1 $0x0;
	s7 =	sor.u32 $0x1, s5  }
.LBB1_4:
0xe: {  	s16 =	sshll.u32 s13, $0x3;
	s17 =	sand.u32 $0x78, s13  }
0xf: {  	s30 =	sand.u32 $0x7E00, s13;
	s12 =	sshll.u32 s12, $0xF;
	s16 =	sand.u32 $0xC00, s16  }
0x10: {  	[tilespmem:s15+$0x810 ss:$0x81] =	vst.msk $0xffff, v2;
	s31 =	sand.u32 $0x7, s13;
	s16 =	sor.u32 s17, s16;
	s17 =	sadd.s32 s3, s30  }
0x11: {  	[tilespmem:s15+$0x1020 ss:$0x81] =	vst.msk $0xffff, v0;
	s13 =	sshll.u32 s31, $0x12;
	s12 =	sadd.s32 s12, s17;
	s16 =	sshrl.u32 s16, $0x3  }
0x12: {  	[tilespmem:s15+$0x0 ss:$0x81] =	vst.msk $0xffff, v1;
	s13 =	sor.u32 $0x400, s13;
	s12 =	sadd.s32 s16, s12  }
0x13: {  	[hbm4b:s12+s13] =	stream.strided.scatter [tilespmem:s14], [sflag:$0x2], $0x2000, s8, s13, $0x20;
	[tilespmem:$0x8080] =	vst v63  }
.LBB1_5:
0x14: {  	s14 =	sadd.s32 $0x1, s9  }
0x15: {  	s12 =	sadd.s32 $0x1000, s10;
	s16 =	smov.u32 s10;
	p2 =	sgt.s32 s14, $0xC7  }
0x16: {  	s16 =	smov.u32 @p2 s12  }
0x17: {  	s14 =	simm.s32 @p2 $0x0;
	p2 =	sgt.s32 s16, $0xFFF  }
0x18: {  	s16 =	smov.u32 @p2 s2;
	p2 =	sne.s32 s11, s7  }
.Ltmp1:
0x19: {  	p1 =	slt.u32 s11, $0x2;
	(pc) =	sbr.rel @!p2 .LBB1_6-.Ltmp1, $4  }
0x1a: {  	s15 =	simm.s32 @!p1 $0x2  }
0x1b: {  	s13 =	smov.u32 s10;
	p0 =	por !p0, !p0;
	_ =	swait.ge @!p1 [sflag:s15], $0x2000  }
0x1c: {  	s12 =	smov.u32 s9;
	[sflag:s15] =	ssyncset.done @!p1 $0x0;
	s9 =	smov.u32 s14  }
0x1d: {  	s11 =	sadd.s32 $0x1, s11;
	[sflag:s15] =	ssyncadd.s32 @!p1 $0xFFFFE000;
	s10 =	smov.u32 s16  }
.LBB1_1:
0x1e: {  	p1 =	sge.u32 s11, s5  }
0x1f: {  	s14 =	sand.u32 @!p1 $0x1FFFFFF, s9  }
0x20: {  	s15 =	smulhi.u32 @!p1 $0x147AE15, s14;
	_ =	sdelay $0x1  }
0x21: {  	s15 =	smul.u32 @!p1 $0xC8, s15  }
0x22: {  	s16 =	sxor.u32 @!p1 $0xFFFFFFFF, s11;
	s17 =	smul.u32 @!p1 $0xC80, s10  }
0x23: {  	s31 =	sadd.s32 $0xFFFFFFFF, s11;
	s16 =	sshll.u32 @!p1 s16, $0xD;
	s14 =	ssub.s32 @!p1 s14, s15  }
0x24: {  	s15 =	sand.u32 @!p1 $0x2000, s16;
	s16 =	sadd.s32 @!p1 s6, s17;
	s14 =	sshll.u32 @!p1 s14, $0x4  }
0x25: {  	s17 =	simm.s32 @!p1 $0x6400;
	s14 =	sadd.s32 @!p1 s14, s16;
	s16 =	simm.s32 @!p1 $0x40  }
0x26: {  	[tilespmem:s15], [sflag:$0x1] =	stream.strided.gather @!p1 [hbm4b:s14+s16], $0x2000, s17, s16, $0x38;
	[tilespmem:$0x8080] =	vst v63  }
0x27: {  	p1 =	sge.u32 s31, s5  }
.Ltmp2:
0x28: {  	_ = 	snop;
	(pc) =	sbr.rel @p1 .LBB1_5-.Ltmp2, $1  }
0x29: {  	_ =	sdelay $0x3  }
0x2a: {  	s14 =	simm.s32 $0x1  }
0x2b: {  	_ =	swait.ge [sflag:s4], $0x2000;
	s14 =	simm.s32 @!p0 $0x0  }
0x2c: {  	[sflag:s4] =	ssyncset.done $0x0;
	s15 =	sshll.u32 s14, $0xD  }
0x2d: {  	[sflag:s4] =	ssyncadd.s32 $0xFFFFE000;
	s18 =	sor.u32 $0x20, s15  }
0x2e: {  	s14 =	smul.u32 $0x8100, s14;
	v3 =	vld [tilespmem:s18+$0x10]  }
0x2f: {  	s30 =	sand.u32 $0x1, s11;
	v2 =	vld [tilespmem:s18+$0xFFFFFFF0]  }
0x30: {  	s15 =	smul.u32 $0x8100, s30;
	s14 =	sshrl.u32 s14, $0x2;
	v0 =	vld [tilespmem:s18+$0x0]  }
0x31: {  	v1 =	vld [tilespmem:s18+$0xFFFFFFE0];
	s16 =	sor.u32 $0x4000, s14  }
0x32: {  	s31 =	sshrl.u32 s15, $0x2;
	s15 =	sadd.s32 $0x0, s16  }
0x33: {  	s17 =	simm.s32 $0x4;
	s18 =	sadd.s32 $0x40, s18;
	s14 =	sor.u32 $0x4000, s31;
	[tilespmem:s15+$0x1830 ss:$0x81] =	vst.msk $0xffff, v3  }
.LBB1_3:
0x34: {  	v3 =	vld [tilespmem:s18+$0x10];
	p1 =	sne.s32 s17, $0x1FC;
	[tilespmem:s15+$0x810 ss:$0x81] =	vst.msk $0xffff, v2;
	s19 =	smov.u32 s17;
	s17 =	sadd.s32 $0x4, s17  }
.Ltmp3:
0x35: {  	v2 =	vld [tilespmem:s18+$0xFFFFFFF0];
	[tilespmem:s15+$0x1020 ss:$0x81] =	vst.msk $0xffff, v0;
	(pc) =	sbr.rel @p1 .LBB1_3-.Ltmp3, $4  }
0x36: {  	v0 =	vld [tilespmem:s18+$0x0];
	[tilespmem:s15+$0x0 ss:$0x81] =	vst.msk $0xffff, v1  }
0x37: {  	s15 =	sshra.s32 s19, $0x2;
	v1 =	vld [tilespmem:s18+$0xFFFFFFE0]  }
0x38: {  	s15 =	sadd.s32 s15, s16  }
0x39: {  	s18 =	sadd.s32 $0x40, s18;
	[tilespmem:s15+$0x1830 ss:$0x81] =	vst.msk $0xffff, v3  }
.Ltmp4:
0x3a: {  	_ = 	snop;
	(pc) =	sbr.rel .LBB1_4-.Ltmp4, $1  }
0x3b: {  	_ =	sdelay $0x3  }
.LBB1_6:
0x3c: {  	_ =	sfence.sel $0x180000  }
0x3d: {  	s2 =	simm.s32 $0x1;
	[bflag:$0x0] =	sbarrier.arrive $0xFFFF  }
0x3e: {  	s31 =	simm.s32 $0x2;
	[sflag:s2] =	ssyncpa.u1 $0x1  }
0x3f: {  	[sflag:s31] =	ssyncpa.u1 $0x1  }
0x40: {  	p0 =	sne.s32 s0, $0x0;
	_ =	strace $0x9000004A  }
0x41: {  	s0 =	sadd.s32 @!p0 $0x100000, s1;
	[bflag:$0x2] =	sbarrier.arrive $0xFFFF  }
0x42: {  	[sflag:s0] =	ssyncadd.tile.s32 @!p0 $0x1;
	_ =	shalt  }
.Lfunc_end1:
_tile_overlayer_lowered:
.L_overlay_start_2:
0x43: {  	(tag) =	ssettag $0x2  }
0x44: {  	s0 =	rddreg [dreg:$0x0];
	s2 =	stileid.u32  }
0x45: {  	s1 =	rddreg [dreg:$0x1];
	p0 =	sne.s32 s2, $0x0  }
0x46: {  	s3 =	rddreg [dreg:$0x2];
	[bflag:$0x3] =	sbarrier.arrive $0xFFFF;
	s2 =	simm.s32 @!p0 $0x1C01  }
0x47: {  	[timem:s3], [sflag:s2] =	dma.local @!p0 [hbm:s0], s1  }
0x48: {  	s0 =	simm.s32 @!p0 $0x1  }
0x49: {  	_ =	swait.ge @!p0 [sflag:s0], s1  }
0x4a: {  	s1 =	ssub.s32 @!p0 $0x0, s1;
	[sflag:s0] =	ssyncset.done @!p0 $0x0  }
0x4b: {  	[sflag:s0] =	ssyncadd.s32 @!p0 s1  }
0x4c: {  	[bflag:$0x3] =	sbarrier.arrive $0xFFFF  }
0x4d: {  	_ =	shalt  }

</sc_bundles>
